<compile_context>
chip_gen: v7x
topology: tpu7x:2x2x1
jax: 0.10.2.dev20260603
libtpu: 0.0.44.dev20260713+nightly
codegen_flags: <defaults>
</compile_context>

<pallas_src>
import functools

import jax
import jax.numpy as jnp
from jax import lax
from jax.experimental import pallas as pl
from jax.experimental.pallas import tpu as pltpu
from jax.experimental.pallas import tpu_sc as plsc

N = 10000
NP = 10240
E = 320000
CHUNK = 128
NCORES = 2
NTILES = 16
NWORK = NCORES * NTILES
RING = 4
EPAD = ((E + NWORK * CHUNK * RING - 1) // (NWORK * CHUNK * RING)
        ) * (NWORK * CHUNK * RING)
EDGES_PER_TILE = EPAD // NWORK
NCHUNK = EDGES_PER_TILE // CHUNK
TC0 = NCHUNK
TC1 = 2 * NCHUNK - TC0
STRIPE = NP // NTILES
D_IN = 128
DH = 64
DO = 40
DW = 128

_mesh = plsc.VectorSubcoreMesh(core_axis_name="c", subcore_axis_name="s")



@functools.partial(
    pl.kernel,
    out_type=[jax.ShapeDtypeStruct((NCORES * NP,), jnp.float32),
              jax.ShapeDtypeStruct((NCORES * NP,), jnp.float32)],
    mesh=_mesh,
    scratch_types=[
        pltpu.VMEM((CHUNK,), jnp.int32),
        pltpu.VMEM((CHUNK,), jnp.int32),
        pltpu.VMEM((CHUNK,), jnp.int32),
        pltpu.VMEM((CHUNK,), jnp.int32),
        pltpu.VMEM((CHUNK,), jnp.float32),
        pltpu.VMEM((STRIPE,), jnp.float32),
        pltpu.VMEM_SHARED((NP,), jnp.float32),
        pltpu.VMEM_SHARED((NP,), jnp.float32),
        pltpu.SemaphoreType.DMA,
        pltpu.SemaphoreType.DMA,
        pltpu.SemaphoreType.DMA,
        pltpu.SemaphoreType.DMA,
    ],
)
def _hist_kernel(src_hbm, dst_hbm, hs_hbm, hd_hbm,
                 srcva, dstva, srcvb, dstvb, onesv, zbuf, acc_s, acc_d,
                 isema, isemb, ssema, ssemb):
    c = lax.axis_index("c")
    s = lax.axis_index("s")
    w = c * NTILES + s
    base0 = w * EDGES_PER_TILE
    z16 = jnp.zeros((16,), jnp.float32)
    o16 = jnp.ones((16,), jnp.float32)
    for j in range(CHUNK // 16):
        onesv[pl.ds(j * 16, 16)] = o16
    for j in range(STRIPE // 16):
        zbuf[pl.ds(j * 16, 16)] = z16
    pltpu.sync_copy(src_hbm.at[pl.ds(base0, CHUNK)], srcva)
    pltpu.sync_copy(dst_hbm.at[pl.ds(base0, CHUNK)], dstva)
    pltpu.sync_copy(zbuf, acc_s.at[pl.ds(s * STRIPE, STRIPE)])
    pltpu.sync_copy(zbuf, acc_d.at[pl.ds(s * STRIPE, STRIPE)])
    plsc.subcore_barrier()

    def body(i, carry):
        k0 = 2 * i
        sa1 = pltpu.async_copy(onesv, acc_s.at[srcva], ssema, add=True)
        sa2 = pltpu.async_copy(onesv, acc_d.at[dstva], ssema, add=True)
        b1 = base0 + (k0 + 1) * CHUNK
        ib1 = pltpu.async_copy(src_hbm.at[pl.ds(b1, CHUNK)], srcvb, isemb)
        ib2 = pltpu.async_copy(dst_hbm.at[pl.ds(b1, CHUNK)], dstvb, isemb)
        sa1.wait()
        sa2.wait()
        ib1.wait()
        ib2.wait()
        sb1 = pltpu.async_copy(onesv, acc_s.at[srcvb], ssemb, add=True)
        sb2 = pltpu.async_copy(onesv, acc_d.at[dstvb], ssemb, add=True)
        b2 = jnp.minimum(base0 + (k0 + 2) * CHUNK,
                         base0 + (NCHUNK - 1) * CHUNK)
        ia1 = pltpu.async_copy(src_hbm.at[pl.ds(b2, CHUNK)], srcva, isema)
        ia2 = pltpu.async_copy(dst_hbm.at[pl.ds(b2, CHUNK)], dstva, isema)
        sb1.wait()
        sb2.wait()
        ia1.wait()
        ia2.wait()
        return carry

    lax.fori_loop(0, NCHUNK // 2, body, 0)
    plsc.subcore_barrier()
    off = c * NP + s * STRIPE
    pltpu.sync_copy(acc_s.at[pl.ds(s * STRIPE, STRIPE)], hs_hbm.at[pl.ds(off, STRIPE)])
    pltpu.sync_copy(acc_d.at[pl.ds(s * STRIPE, STRIPE)], hd_hbm.at[pl.ds(off, STRIPE)])


@functools.partial(
    pl.kernel,
    out_type=jax.ShapeDtypeStruct((NCORES * NP, DW), jnp.float32),
    mesh=_mesh,
    scratch_types=[
        pltpu.VMEM((CHUNK,), jnp.int32),
        pltpu.VMEM((CHUNK,), jnp.int32),
        pltpu.VMEM((CHUNK,), jnp.int32),
        pltpu.VMEM((CHUNK,), jnp.int32),
        pltpu.VMEM((CHUNK, DW), jnp.float32),
        pltpu.VMEM((CHUNK, DW), jnp.float32),
        pltpu.VMEM_SHARED((NP, DW), jnp.float32),
        pltpu.SemaphoreType.DMA,
        pltpu.SemaphoreType.DMA,
        pltpu.SemaphoreType.DMA,
        pltpu.SemaphoreType.DMA,
    ],
)
def _edge_pass(ytab_hbm, src_hbm, dst_hbm, zer_hbm, agg_hbm,
               srcva, dstva, srcvb, dstvb, rowsa, rowsb, acc,
               isema, isemb, gsema, gsemb):
    c = lax.axis_index("c")
    s = lax.axis_index("s")
    nch = jnp.where(c == 0, TC0, TC1)
    base0 = jnp.where(c == 0, s * TC0, NTILES * TC0 + s * TC1) * CHUNK

    pltpu.sync_copy(zer_hbm, rowsa)
    for r in range(STRIPE // CHUNK):
        pltpu.sync_copy(rowsa, acc.at[pl.ds(s * STRIPE + r * CHUNK, CHUNK), :])
    pltpu.sync_copy(src_hbm.at[pl.ds(base0, CHUNK)], srcva)
    pltpu.sync_copy(dst_hbm.at[pl.ds(base0, CHUNK)], dstva)
    plsc.subcore_barrier()

    def body(k, carry):
        base = base0 + k * CHUNK
        pltpu.sync_copy(src_hbm.at[pl.ds(base, CHUNK)], srcva)
        pltpu.sync_copy(dst_hbm.at[pl.ds(base, CHUNK)], dstva)
        pltpu.async_copy(ytab_hbm.at[srcva], rowsa, gsema).wait()
        pltpu.sync_copy(rowsa, acc.at[dstva], add=True)
        return carry

    lax.fori_loop(0, nch, body, 0)
    plsc.subcore_barrier()
    pltpu.sync_copy(acc.at[pl.ds(s * STRIPE, STRIPE), :],
                    agg_hbm.at[pl.ds(c * NP + s * STRIPE, STRIPE), :])



def _mm_body(a_ref, w_ref, o_ref):
    o_ref[...] = jnp.dot(a_ref[...], w_ref[...],
                         preferred_element_type=jnp.float32)


def _scale_body(fx_ref, hs_ref, o_ref):
    sn = lax.rsqrt(hs_ref[0, :] + hs_ref[1, :] + 1.0)
    y = fx_ref[...] * sn[:, None]
    o_ref[...] = jnp.concatenate(
        [y, jnp.zeros((y.shape[0], DW - DH), jnp.float32)], axis=1)


def _l2_body(agg_ref, y1_ref, hs_ref, hd_ref, b1_ref, w2_ref, wf_ref, o_ref):
    a = (agg_ref[0] + agg_ref[1] + y1_ref[...])[:, :DH]
    dn = lax.rsqrt(hd_ref[0, :] + hd_ref[1, :] + 1.0)
    x2 = jnp.maximum(a * dn[:, None] + b1_ref[...][None, :], 0.0)
    sn = lax.rsqrt(hs_ref[0, :] + hs_ref[1, :] + 1.0)
    t = jnp.dot(x2 * sn[:, None], w2_ref[...],
                preferred_element_type=jnp.float32)
    m40 = jnp.dot(t, wf_ref[...], preferred_element_type=jnp.float32)
    o_ref[...] = jnp.concatenate(
        [m40, jnp.zeros((m40.shape[0], DW - DO), jnp.float32)], axis=1)


def _fin_body(agg_ref, m_ref, hd_ref, b2_ref, wf_ref, bf_ref, o_ref):
    a = (agg_ref[0] + agg_ref[1] + m_ref[...])[:, :DO]
    dn = lax.rsqrt(hd_ref[0, :] + hd_ref[1, :] + 1.0)
    bfin = jnp.dot(b2_ref[...][None, :], wf_ref[...],
                   preferred_element_type=jnp.float32) + bf_ref[...][None, :]
    o_ref[...] = a * dn[:, None] + bfin


_RB = 1024


def kernel(features, edge_index, W1, b1, W2, b2, Wf, bf):
    features_p = jnp.pad(features, ((0, NP - N), (0, 0)))
    pad = jnp.full((EPAD - E,), N, dtype=jnp.int32)
    src_p = jnp.concatenate([edge_index[0], pad])
    dst_p = jnp.concatenate([edge_index[1], pad])

    hs_flat, hd_flat = _hist_kernel(src_p, dst_p)
    hs = hs_flat.reshape(NCORES, NP)
    hd = hd_flat.reshape(NCORES, NP)
    zer = jnp.zeros((CHUNK, DW), jnp.float32)

    fx = pl.pallas_call(
        _mm_body,
        grid=(NP // _RB,),
        in_specs=[pl.BlockSpec((_RB, D_IN), lambda i: (i, 0)),
                  pl.BlockSpec((D_IN, DH), lambda i: (0, 0))],
        out_specs=pl.BlockSpec((_RB, DH), lambda i: (i, 0)),
        out_shape=jax.ShapeDtypeStruct((NP, DH), jnp.float32),
    )(features_p, W1)

    y1 = pl.pallas_call(
        _scale_body,
        grid=(NP // _RB,),
        in_specs=[pl.BlockSpec((_RB, DH), lambda i: (i, 0)),
                  pl.BlockSpec((NCORES, _RB), lambda i: (0, i))],
        out_specs=pl.BlockSpec((_RB, DW), lambda i: (i, 0)),
        out_shape=jax.ShapeDtypeStruct((NP, DW), jnp.float32),
    )(fx, hs)

    agg1 = _edge_pass(y1, src_p, dst_p, zer).reshape(NCORES, NP, DW)

    m = pl.pallas_call(
        _l2_body,
        grid=(NP // _RB,),
        in_specs=[pl.BlockSpec((NCORES, _RB, DW), lambda i: (0, i, 0)),
                  pl.BlockSpec((_RB, DW), lambda i: (i, 0)),
                  pl.BlockSpec((NCORES, _RB), lambda i: (0, i)),
                  pl.BlockSpec((NCORES, _RB), lambda i: (0, i)),
                  pl.BlockSpec((DH,), lambda i: (0,)),
                  pl.BlockSpec((DH, DH), lambda i: (0, 0)),
                  pl.BlockSpec((DH, DO), lambda i: (0, 0))],
        out_specs=pl.BlockSpec((_RB, DW), lambda i: (i, 0)),
        out_shape=jax.ShapeDtypeStruct((NP, DW), jnp.float32),
    )(agg1, y1, hs, hd, b1, W2, Wf)

    agg2 = _edge_pass(m, src_p, dst_p, zer).reshape(NCORES, NP, DW)

    out = pl.pallas_call(
        _fin_body,
        grid=(NP // _RB,),
        in_specs=[pl.BlockSpec((NCORES, _RB, DW), lambda i: (0, i, 0)),
                  pl.BlockSpec((_RB, DW), lambda i: (i, 0)),
                  pl.BlockSpec((NCORES, _RB), lambda i: (0, i)),
                  pl.BlockSpec((DH,), lambda i: (0,)),
                  pl.BlockSpec((DH, DO), lambda i: (0, 0)),
                  pl.BlockSpec((DO,), lambda i: (0,))],
        out_specs=pl.BlockSpec((_RB, DO), lambda i: (i, 0)),
        out_shape=jax.ShapeDtypeStruct((NP, DO), jnp.float32),
    )(agg2, m, hd, b2, Wf, bf)

    return out[:N]

# --- scband reference (transcript-rebuilt; emitter-appended) ---
"""Pipeline reference for scband-conv-gnnmodel-29368986370218 (READ-ONLY COPY).

The authoritative reference and input builder live on the scoring server;
editing this copy changes nothing except your own understanding.
"""

import jax, jax.numpy as jnp
import numpy as np

N = 10000
E = 320000
D_IN = 128
D_H = 64
D_OUT = 40


def gcn_layer(x, src, dst, W, b, n):
    # DGL GraphConv with norm='both': D_out^{-1/2} on src, sum-aggregate, D_in^{-1/2} on dst, then linear.
    ones = jnp.ones(src.shape[0], dtype=x.dtype)
    deg_out = jax.ops.segment_sum(ones, src, num_segments=n)
    deg_in = jax.ops.segment_sum(ones, dst, num_segments=n)
    norm_src = jnp.where(deg_out > 0, deg_out, 1.0) ** -0.5
    norm_dst = jnp.where(deg_in > 0, deg_in, 1.0) ** -0.5
    h = x * norm_src[:, None]
    msgs = jnp.take(h, src, axis=0)
    agg = jax.ops.segment_sum(msgs, dst, num_segments=n)
    agg = agg * norm_dst[:, None]
    return agg @ W + b


def setup_inputs(seed: int = 0):
    key = jax.random.key(seed)
    ks = jax.random.split(key, 8)
    features = jax.random.normal(ks[0], (N, D_IN), dtype=jnp.float32)
    edge_index = jax.random.randint(ks[1], (2, E), 0, N, dtype=jnp.int32)
    W1 = jax.random.normal(ks[2], (D_IN, D_H), dtype=jnp.float32) * 0.05
    b1 = jnp.zeros((D_H,), dtype=jnp.float32)
    W2 = jax.random.normal(ks[3], (D_H, D_H), dtype=jnp.float32) * 0.05
    b2 = jnp.zeros((D_H,), dtype=jnp.float32)
    Wf = jax.random.normal(ks[4], (D_H, D_OUT), dtype=jnp.float32) * 0.05
    bf = jnp.zeros((D_OUT,), dtype=jnp.float32)
    return {"features": features, "edge_index": edge_index, "W1": W1, "b1": b1, "W2": W2, "b2": b2, "Wf": Wf, "bf": bf}


def reference(features, edge_index, W1, b1, W2, b2, Wf, bf):
    n = features.shape[0]
    # dgl.add_self_loop(graph) applied before the model
    loops = jnp.arange(n, dtype=edge_index.dtype)
    src = jnp.concatenate([edge_index[0], loops])
    dst = jnp.concatenate([edge_index[1], loops])
    x = gcn_layer(features, src, dst, W1, b1, n)
    x = jax.nn.relu(x)
    x = gcn_layer(x, src, dst, W2, b2, n)
    x = x @ Wf + bf
    return x

if __name__ == "__main__":
    import jax
    _d = setup_inputs()
    print(jax.jit(kernel)(*tuple(_d.values())))

</pallas_src>

<mosaic_0001>
#map = affine_map<(d0, d1) -> (0)>
module attributes {stable_mosaic.version = 14 : i64} {
  func.func @_hist_kernel(%arg0: i32, %arg1: i32, %arg2: memref<327680xi32, #tpu.memory_space<hbm>>, %arg3: memref<327680xi32, #tpu.memory_space<hbm>>, %arg4: memref<20480xf32, #tpu.memory_space<hbm>>, %arg5: memref<20480xf32, #tpu.memory_space<hbm>>, %arg6: memref<128xi32, #tpu.memory_space<vmem>>, %arg7: memref<128xi32, #tpu.memory_space<vmem>>, %arg8: memref<128xi32, #tpu.memory_space<vmem>>, %arg9: memref<128xi32, #tpu.memory_space<vmem>>, %arg10: memref<128xf32, #tpu.memory_space<vmem>>, %arg11: memref<640xf32, #tpu.memory_space<vmem>>, %arg12: memref<10240xf32, #tpu.memory_space<vmem_shared>>, %arg13: memref<10240xf32, #tpu.memory_space<vmem_shared>>, %arg14: memref<!tpu.dma_semaphore, #tpu.memory_space<semaphore_mem>>, %arg15: memref<!tpu.dma_semaphore, #tpu.memory_space<semaphore_mem>>, %arg16: memref<!tpu.dma_semaphore, #tpu.memory_space<semaphore_mem>>, %arg17: memref<!tpu.dma_semaphore, #tpu.memory_space<semaphore_mem>>) attributes {dimension_semantics = [#tpu.dimension_semantics<core_parallel>, #tpu.dimension_semantics<subcore_parallel>], iteration_bounds = array<i64: 2, 16>, scalar_prefetch = 0 : i64, scratch_operands = 12 : i64, tpu.core_type = #tpu.core_type<sc_vector_subcore>, window_params = [{transform_indices = #map}, {transform_indices = #map}, {transform_indices = #map}, {transform_indices = #map}]} {
    %mul3A = arith.constant 16 : i32
    %mul3A_0 = arith.muli %arg0, %mul3A : i32
    %add3A = arith.addi %mul3A_0, %arg1 : i32
    %mul3A_1 = arith.constant 10240 : i32
    %mul3A_2 = arith.muli %add3A, %mul3A_1 : i32
    %broadcast_in_dim3A = arith.constant 0.000000e+00 : f32
    %broadcast_in_dim3A_3 = vector.broadcast %broadcast_in_dim3A : f32 to vector<16xf32>
    %broadcast_in_dim3A_4 = arith.constant 1.000000e+00 : f32
    %broadcast_in_dim3A_5 = vector.broadcast %broadcast_in_dim3A_4 : f32 to vector<16xf32>
    %swap3A = arith.constant 0 : index
    %swap3A_6 = tpu.vector_load %arg10[%swap3A] {strides = array<i32>} : memref<128xf32, #tpu.memory_space<vmem>>, vector<16xf32>,
    %swap3A_7 = vector.shape_cast %swap3A_6 : vector<16xf32> to vector<16xf32>
    %swap3A_8 = vector.shape_cast %broadcast_in_dim3A_5 : vector<16xf32> to vector<16xf32>
    tpu.vector_store %arg10[%swap3A], %swap3A_8 {strides = array<i32>} : memref<128xf32, #tpu.memory_space<vmem>>, vector<16xf32>,
    %swap3A_9 = arith.constant 16 : index
    %swap3A_10 = tpu.vector_load %arg10[%swap3A_9] {strides = array<i32>} : memref<128xf32, #tpu.memory_space<vmem>>, vector<16xf32>,
    %swap3A_11 = vector.shape_cast %swap3A_10 : vector<16xf32> to vector<16xf32>
    %swap3A_12 = vector.shape_cast %broadcast_in_dim3A_5 : vector<16xf32> to vector<16xf32>
    tpu.vector_store %arg10[%swap3A_9], %swap3A_12 {strides = array<i32>} : memref<128xf32, #tpu.memory_space<vmem>>, vector<16xf32>,
    %swap3A_13 = arith.constant 32 : index
    %swap3A_14 = tpu.vector_load %arg10[%swap3A_13] {strides = array<i32>} : memref<128xf32, #tpu.memory_space<vmem>>, vector<16xf32>,
    %swap3A_15 = vector.shape_cast %swap3A_14 : vector<16xf32> to vector<16xf32>
    %swap3A_16 = vector.shape_cast %broadcast_in_dim3A_5 : vector<16xf32> to vector<16xf32>
    tpu.vector_store %arg10[%swap3A_13], %swap3A_16 {strides = array<i32>} : memref<128xf32, #tpu.memory_space<vmem>>, vector<16xf32>,
    %swap3A_17 = arith.constant 48 : index
    %swap3A_18 = tpu.vector_load %arg10[%swap3A_17] {strides = array<i32>} : memref<128xf32, #tpu.memory_space<vmem>>, vector<16xf32>,
    %swap3A_19 = vector.shape_cast %swap3A_18 : vector<16xf32> to vector<16xf32>
    %swap3A_20 = vector.shape_cast %broadcast_in_dim3A_5 : vector<16xf32> to vector<16xf32>
    tpu.vector_store %arg10[%swap3A_17], %swap3A_20 {strides = array<i32>} : memref<128xf32, #tpu.memory_space<vmem>>, vector<16xf32>,
    %swap3A_21 = arith.constant 64 : index
    %swap3A_22 = tpu.vector_load %arg10[%swap3A_21] {strides = array<i32>} : memref<128xf32, #tpu.memory_space<vmem>>, vector<16xf32>,
    %swap3A_23 = vector.shape_cast %swap3A_22 : vector<16xf32> to vector<16xf32>
    %swap3A_24 = vector.shape_cast %broadcast_in_dim3A_5 : vector<16xf32> to vector<16xf32>
    tpu.vector_store %arg10[%swap3A_21], %swap3A_24 {strides = array<i32>} : memref<128xf32, #tpu.memory_space<vmem>>, vector<16xf32>,
    %swap3A_25 = arith.constant 80 : index
    %swap3A_26 = tpu.vector_load %arg10[%swap3A_25] {strides = array<i32>} : memref<128xf32, #tpu.memory_space<vmem>>, vector<16xf32>,
    %swap3A_27 = vector.shape_cast %swap3A_26 : vector<16xf32> to vector<16xf32>
    %swap3A_28 = vector.shape_cast %broadcast_in_dim3A_5 : vector<16xf32> to vector<16xf32>
    tpu.vector_store %arg10[%swap3A_25], %swap3A_28 {strides = array<i32>} : memref<128xf32, #tpu.memory_space<vmem>>, vector<16xf32>,
    %swap3A_29 = arith.constant 96 : index
    %swap3A_30 = tpu.vector_load %arg10[%swap3A_29] {strides = array<i32>} : memref<128xf32, #tpu.memory_space<vmem>>, vector<16xf32>,
    %swap3A_31 = vector.shape_cast %swap3A_30 : vector<16xf32> to vector<16xf32>
    %swap3A_32 = vector.shape_cast %broadcast_in_dim3A_5 : vector<16xf32> to vector<16xf32>
    tpu.vector_store %arg10[%swap3A_29], %swap3A_32 {strides = array<i32>} : memref<128xf32, #tpu.memory_space<vmem>>, vector<16xf32>,
    %swap3A_33 = arith.constant 112 : index
    %swap3A_34 = tpu.vector_load %arg10[%swap3A_33] {strides = array<i32>} : memref<128xf32, #tpu.memory_space<vmem>>, vector<16xf32>,
    %swap3A_35 = vector.shape_cast %swap3A_34 : vector<16xf32> to vector<16xf32>
    %swap3A_36 = vector.shape_cast %broadcast_in_dim3A_5 : vector<16xf32> to vector<16xf32>
    tpu.vector_store %arg10[%swap3A_33], %swap3A_36 {strides = array<i32>} : memref<128xf32, #tpu.memory_space<vmem>>, vector<16xf32>,
    %swap3A_37 = arith.constant 0 : index
    %swap3A_38 = tpu.vector_load %arg11[%swap3A_37] {strides = array<i32>} : memref<640xf32, #tpu.memory_space<vmem>>, vector<16xf32>,
    %swap3A_39 = vector.shape_cast %swap3A_38 : vector<16xf32> to vector<16xf32>
    %swap3A_40 = vector.shape_cast %broadcast_in_dim3A_3 : vector<16xf32> to vector<16xf32>
    tpu.vector_store %arg11[%swap3A_37], %swap3A_40 {strides = array<i32>} : memref<640xf32, #tpu.memory_space<vmem>>, vector<16xf32>,
    %swap3A_41 = arith.constant 16 : index
    %swap3A_42 = tpu.vector_load %arg11[%swap3A_41] {strides = array<i32>} : memref<640xf32, #tpu.memory_space<vmem>>, vector<16xf32>,
    %swap3A_43 = vector.shape_cast %swap3A_42 : vector<16xf32> to vector<16xf32>
    %swap3A_44 = vector.shape_cast %broadcast_in_dim3A_3 : vector<16xf32> to vector<16xf32>
    tpu.vector_store %arg11[%swap3A_41], %swap3A_44 {strides = array<i32>} : memref<640xf32, #tpu.memory_space<vmem>>, vector<16xf32>,
    %swap3A_45 = arith.constant 32 : index
    %swap3A_46 = tpu.vector_load %arg11[%swap3A_45] {strides = array<i32>} : memref<640xf32, #tpu.memory_space<vmem>>, vector<16xf32>,
    %swap3A_47 = vector.shape_cast %swap3A_46 : vector<16xf32> to vector<16xf32>
    %swap3A_48 = vector.shape_cast %broadcast_in_dim3A_3 : vector<16xf32> to vector<16xf32>
    tpu.vector_store %arg11[%swap3A_45], %swap3A_48 {strides = array<i32>} : memref<640xf32, #tpu.memory_space<vmem>>, vector<16xf32>,
    %swap3A_49 = arith.constant 48 : index
    %swap3A_50 = tpu.vector_load %arg11[%swap3A_49] {strides = array<i32>} : memref<640xf32, #tpu.memory_space<vmem>>, vector<16xf32>,
    %swap3A_51 = vector.shape_cast %swap3A_50 : vector<16xf32> to vector<16xf32>
    %swap3A_52 = vector.shape_cast %broadcast_in_dim3A_3 : vector<16xf32> to vector<16xf32>
    tpu.vector_store %arg11[%swap3A_49], %swap3A_52 {strides = array<i32>} : memref<640xf32, #tpu.memory_space<vmem>>, vector<16xf32>,
    %swap3A_53 = arith.constant 64 : index
    %swap3A_54 = tpu.vector_load %arg11[%swap3A_53] {strides = array<i32>} : memref<640xf32, #tpu.memory_space<vmem>>, vector<16xf32>,
    %swap3A_55 = vector.shape_cast %swap3A_54 : vector<16xf32> to vector<16xf32>
    %swap3A_56 = vector.shape_cast %broadcast_in_dim3A_3 : vector<16xf32> to vector<16xf32>
    tpu.vector_store %arg11[%swap3A_53], %swap3A_56 {strides = array<i32>} : memref<640xf32, #tpu.memory_space<vmem>>, vector<16xf32>,
    %swap3A_57 = arith.constant 80 : index
    %swap3A_58 = tpu.vector_load %arg11[%swap3A_57] {strides = array<i32>} : memref<640xf32, #tpu.memory_space<vmem>>, vector<16xf32>,
    %swap3A_59 = vector.shape_cast %swap3A_58 : vector<16xf32> to vector<16xf32>
    %swap3A_60 = vector.shape_cast %broadcast_in_dim3A_3 : vector<16xf32> to vector<16xf32>
    tpu.vector_store %arg11[%swap3A_57], %swap3A_60 {strides = array<i32>} : memref<640xf32, #tpu.memory_space<vmem>>, vector<16xf32>,
    %swap3A_61 = arith.constant 96 : index
    %swap3A_62 = tpu.vector_load %arg11[%swap3A_61] {strides = array<i32>} : memref<640xf32, #tpu.memory_space<vmem>>, vector<16xf32>,
    %swap3A_63 = vector.shape_cast %swap3A_62 : vector<16xf32> to vector<16xf32>
    %swap3A_64 = vector.shape_cast %broadcast_in_dim3A_3 : vector<16xf32> to vector<16xf32>
    tpu.vector_store %arg11[%swap3A_61], %swap3A_64 {strides = array<i32>} : memref<640xf32, #tpu.memory_space<vmem>>, vector<16xf32>,
    %swap3A_65 = arith.constant 112 : index
    %swap3A_66 = tpu.vector_load %arg11[%swap3A_65] {strides = array<i32>} : memref<640xf32, #tpu.memory_space<vmem>>, vector<16xf32>,
    %swap3A_67 = vector.shape_cast %swap3A_66 : vector<16xf32> to vector<16xf32>
    %swap3A_68 = vector.shape_cast %broadcast_in_dim3A_3 : vector<16xf32> to vector<16xf32>
    tpu.vector_store %arg11[%swap3A_65], %swap3A_68 {strides = array<i32>} : memref<640xf32, #tpu.memory_space<vmem>>, vector<16xf32>,
    %swap3A_69 = arith.constant 128 : index
    %swap3A_70 = tpu.vector_load %arg11[%swap3A_69] {strides = array<i32>} : memref<640xf32, #tpu.memory_space<vmem>>, vector<16xf32>,
    %swap3A_71 = vector.shape_cast %swap3A_70 : vector<16xf32> to vector<16xf32>
    %swap3A_72 = vector.shape_cast %broadcast_in_dim3A_3 : vector<16xf32> to vector<16xf32>
    tpu.vector_store %arg11[%swap3A_69], %swap3A_72 {strides = array<i32>} : memref<640xf32, #tpu.memory_space<vmem>>, vector<16xf32>,
    %swap3A_73 = arith.constant 144 : index
    %swap3A_74 = tpu.vector_load %arg11[%swap3A_73] {strides = array<i32>} : memref<640xf32, #tpu.memory_space<vmem>>, vector<16xf32>,
    %swap3A_75 = vector.shape_cast %swap3A_74 : vector<16xf32> to vector<16xf32>
    %swap3A_76 = vector.shape_cast %broadcast_in_dim3A_3 : vector<16xf32> to vector<16xf32>
    tpu.vector_store %arg11[%swap3A_73], %swap3A_76 {strides = array<i32>} : memref<640xf32, #tpu.memory_space<vmem>>, vector<16xf32>,
    %swap3A_77 = arith.constant 160 : index
    %swap3A_78 = tpu.vector_load %arg11[%swap3A_77] {strides = array<i32>} : memref<640xf32, #tpu.memory_space<vmem>>, vector<16xf32>,
    %swap3A_79 = vector.shape_cast %swap3A_78 : vector<16xf32> to vector<16xf32>
    %swap3A_80 = vector.shape_cast %broadcast_in_dim3A_3 : vector<16xf32> to vector<16xf32>
    tpu.vector_store %arg11[%swap3A_77], %swap3A_80 {strides = array<i32>} : memref<640xf32, #tpu.memory_space<vmem>>, vector<16xf32>,
    %swap3A_81 = arith.constant 176 : index
    %swap3A_82 = tpu.vector_load %arg11[%swap3A_81] {strides = array<i32>} : memref<640xf32, #tpu.memory_space<vmem>>, vector<16xf32>,
    %swap3A_83 = vector.shape_cast %swap3A_82 : vector<16xf32> to vector<16xf32>
    %swap3A_84 = vector.shape_cast %broadcast_in_dim3A_3 : vector<16xf32> to vector<16xf32>
    tpu.vector_store %arg11[%swap3A_81], %swap3A_84 {strides = array<i32>} : memref<640xf32, #tpu.memory_space<vmem>>, vector<16xf32>,
    %swap3A_85 = arith.constant 192 : index
    %swap3A_86 = tpu.vector_load %arg11[%swap3A_85] {strides = array<i32>} : memref<640xf32, #tpu.memory_space<vmem>>, vector<16xf32>,
    %swap3A_87 = vector.shape_cast %swap3A_86 : vector<16xf32> to vector<16xf32>
    %swap3A_88 = vector.shape_cast %broadcast_in_dim3A_3 : vector<16xf32> to vector<16xf32>
    tpu.vector_store %arg11[%swap3A_85], %swap3A_88 {strides = array<i32>} : memref<640xf32, #tpu.memory_space<vmem>>, vector<16xf32>,
    %swap3A_89 = arith.constant 208 : index
    %swap3A_90 = tpu.vector_load %arg11[%swap3A_89] {strides = array<i32>} : memref<640xf32, #tpu.memory_space<vmem>>, vector<16xf32>,
    %swap3A_91 = vector.shape_cast %swap3A_90 : vector<16xf32> to vector<16xf32>
    %swap3A_92 = vector.shape_cast %broadcast_in_dim3A_3 : vector<16xf32> to vector<16xf32>
    tpu.vector_store %arg11[%swap3A_89], %swap3A_92 {strides = array<i32>} : memref<640xf32, #tpu.memory_space<vmem>>, vector<16xf32>,
    %swap3A_93 = arith.constant 224 : index
    %swap3A_94 = tpu.vector_load %arg11[%swap3A_93] {strides = array<i32>} : memref<640xf32, #tpu.memory_space<vmem>>, vector<16xf32>,
    %swap3A_95 = vector.shape_cast %swap3A_94 : vector<16xf32> to vector<16xf32>
    %swap3A_96 = vector.shape_cast %broadcast_in_dim3A_3 : vector<16xf32> to vector<16xf32>
    tpu.vector_store %arg11[%swap3A_93], %swap3A_96 {strides = array<i32>} : memref<640xf32, #tpu.memory_space<vmem>>, vector<16xf32>,
    %swap3A_97 = arith.constant 240 : index
    %swap3A_98 = tpu.vector_load %arg11[%swap3A_97] {strides = array<i32>} : memref<640xf32, #tpu.memory_space<vmem>>, vector<16xf32>,
    %swap3A_99 = vector.shape_cast %swap3A_98 : vector<16xf32> to vector<16xf32>
    %swap3A_100 = vector.shape_cast %broadcast_in_dim3A_3 : vector<16xf32> to vector<16xf32>
    tpu.vector_store %arg11[%swap3A_97], %swap3A_100 {strides = array<i32>} : memref<640xf32, #tpu.memory_space<vmem>>, vector<16xf32>,
    %swap3A_101 = arith.constant 256 : index
    %swap3A_102 = tpu.vector_load %arg11[%swap3A_101] {strides = array<i32>} : memref<640xf32, #tpu.memory_space<vmem>>, vector<16xf32>,
    %swap3A_103 = vector.shape_cast %swap3A_102 : vector<16xf32> to vector<16xf32>
    %swap3A_104 = vector.shape_cast %broadcast_in_dim3A_3 : vector<16xf32> to vector<16xf32>
    tpu.vector_store %arg11[%swap3A_101], %swap3A_104 {strides = array<i32>} : memref<640xf32, #tpu.memory_space<vmem>>, vector<16xf32>,
    %swap3A_105 = arith.constant 272 : index
    %swap3A_106 = tpu.vector_load %arg11[%swap3A_105] {strides = array<i32>} : memref<640xf32, #tpu.memory_space<vmem>>, vector<16xf32>,
    %swap3A_107 = vector.shape_cast %swap3A_106 : vector<16xf32> to vector<16xf32>
    %swap3A_108 = vector.shape_cast %broadcast_in_dim3A_3 : vector<16xf32> to vector<16xf32>
    tpu.vector_store %arg11[%swap3A_105], %swap3A_108 {strides = array<i32>} : memref<640xf32, #tpu.memory_space<vmem>>, vector<16xf32>,
    %swap3A_109 = arith.constant 288 : index
    %swap3A_110 = tpu.vector_load %arg11[%swap3A_109] {strides = array<i32>} : memref<640xf32, #tpu.memory_space<vmem>>, vector<16xf32>,
    %swap3A_111 = vector.shape_cast %swap3A_110 : vector<16xf32> to vector<16xf32>
    %swap3A_112 = vector.shape_cast %broadcast_in_dim3A_3 : vector<16xf32> to vector<16xf32>
    tpu.vector_store %arg11[%swap3A_109], %swap3A_112 {strides = array<i32>} : memref<640xf32, #tpu.memory_space<vmem>>, vector<16xf32>,
    %swap3A_113 = arith.constant 304 : index
    %swap3A_114 = tpu.vector_load %arg11[%swap3A_113] {strides = array<i32>} : memref<640xf32, #tpu.memory_space<vmem>>, vector<16xf32>,
    %swap3A_115 = vector.shape_cast %swap3A_114 : vector<16xf32> to vector<16xf32>
    %swap3A_116 = vector.shape_cast %broadcast_in_dim3A_3 : vector<16xf32> to vector<16xf32>
    tpu.vector_store %arg11[%swap3A_113], %swap3A_116 {strides = array<i32>} : memref<640xf32, #tpu.memory_space<vmem>>, vector<16xf32>,
    %swap3A_117 = arith.constant 320 : index
    %swap3A_118 = tpu.vector_load %arg11[%swap3A_117] {strides = array<i32>} : memref<640xf32, #tpu.memory_space<vmem>>, vector<16xf32>,
    %swap3A_119 = vector.shape_cast %swap3A_118 : vector<16xf32> to vector<16xf32>
    %swap3A_120 = vector.shape_cast %broadcast_in_dim3A_3 : vector<16xf32> to vector<16xf32>
    tpu.vector_store %arg11[%swap3A_117], %swap3A_120 {strides = array<i32>} : memref<640xf32, #tpu.memory_space<vmem>>, vector<16xf32>,
    %swap3A_121 = arith.constant 336 : index
    %swap3A_122 = tpu.vector_load %arg11[%swap3A_121] {strides = array<i32>} : memref<640xf32, #tpu.memory_space<vmem>>, vector<16xf32>,
    %swap3A_123 = vector.shape_cast %swap3A_122 : vector<16xf32> to vector<16xf32>
    %swap3A_124 = vector.shape_cast %broadcast_in_dim3A_3 : vector<16xf32> to vector<16xf32>
    tpu.vector_store %arg11[%swap3A_121], %swap3A_124 {strides = array<i32>} : memref<640xf32, #tpu.memory_space<vmem>>, vector<16xf32>,
    %swap3A_125 = arith.constant 352 : index
    %swap3A_126 = tpu.vector_load %arg11[%swap3A_125] {strides = array<i32>} : memref<640xf32, #tpu.memory_space<vmem>>, vector<16xf32>,
    %swap3A_127 = vector.shape_cast %swap3A_126 : vector<16xf32> to vector<16xf32>
    %swap3A_128 = vector.shape_cast %broadcast_in_dim3A_3 : vector<16xf32> to vector<16xf32>
    tpu.vector_store %arg11[%swap3A_125], %swap3A_128 {strides = array<i32>} : memref<640xf32, #tpu.memory_space<vmem>>, vector<16xf32>,
    %swap3A_129 = arith.constant 368 : index
    %swap3A_130 = tpu.vector_load %arg11[%swap3A_129] {strides = array<i32>} : memref<640xf32, #tpu.memory_space<vmem>>, vector<16xf32>,
    %swap3A_131 = vector.shape_cast %swap3A_130 : vector<16xf32> to vector<16xf32>
    %swap3A_132 = vector.shape_cast %broadcast_in_dim3A_3 : vector<16xf32> to vector<16xf32>
    tpu.vector_store %arg11[%swap3A_129], %swap3A_132 {strides = array<i32>} : memref<640xf32, #tpu.memory_space<vmem>>, vector<16xf32>,
    %swap3A_133 = arith.constant 384 : index
    %swap3A_134 = tpu.vector_load %arg11[%swap3A_133] {strides = array<i32>} : memref<640xf32, #tpu.memory_space<vmem>>, vector<16xf32>,
    %swap3A_135 = vector.shape_cast %swap3A_134 : vector<16xf32> to vector<16xf32>
    %swap3A_136 = vector.shape_cast %broadcast_in_dim3A_3 : vector<16xf32> to vector<16xf32>
    tpu.vector_store %arg11[%swap3A_133], %swap3A_136 {strides = array<i32>} : memref<640xf32, #tpu.memory_space<vmem>>, vector<16xf32>,
    %swap3A_137 = arith.constant 400 : index
    %swap3A_138 = tpu.vector_load %arg11[%swap3A_137] {strides = array<i32>} : memref<640xf32, #tpu.memory_space<vmem>>, vector<16xf32>,
    %swap3A_139 = vector.shape_cast %swap3A_138 : vector<16xf32> to vector<16xf32>
    %swap3A_140 = vector.shape_cast %broadcast_in_dim3A_3 : vector<16xf32> to vector<16xf32>
    tpu.vector_store %arg11[%swap3A_137], %swap3A_140 {strides = array<i32>} : memref<640xf32, #tpu.memory_space<vmem>>, vector<16xf32>,
    %swap3A_141 = arith.constant 416 : index
    %swap3A_142 = tpu.vector_load %arg11[%swap3A_141] {strides = array<i32>} : memref<640xf32, #tpu.memory_space<vmem>>, vector<16xf32>,
    %swap3A_143 = vector.shape_cast %swap3A_142 : vector<16xf32> to vector<16xf32>
    %swap3A_144 = vector.shape_cast %broadcast_in_dim3A_3 : vector<16xf32> to vector<16xf32>
    tpu.vector_store %arg11[%swap3A_141], %swap3A_144 {strides = array<i32>} : memref<640xf32, #tpu.memory_space<vmem>>, vector<16xf32>,
    %swap3A_145 = arith.constant 432 : index
    %swap3A_146 = tpu.vector_load %arg11[%swap3A_145] {strides = array<i32>} : memref<640xf32, #tpu.memory_space<vmem>>, vector<16xf32>,
    %swap3A_147 = vector.shape_cast %swap3A_146 : vector<16xf32> to vector<16xf32>
    %swap3A_148 = vector.shape_cast %broadcast_in_dim3A_3 : vector<16xf32> to vector<16xf32>
    tpu.vector_store %arg11[%swap3A_145], %swap3A_148 {strides = array<i32>} : memref<640xf32, #tpu.memory_space<vmem>>, vector<16xf32>,
    %swap3A_149 = arith.constant 448 : index
    %swap3A_150 = tpu.vector_load %arg11[%swap3A_149] {strides = array<i32>} : memref<640xf32, #tpu.memory_space<vmem>>, vector<16xf32>,
    %swap3A_151 = vector.shape_cast %swap3A_150 : vector<16xf32> to vector<16xf32>
    %swap3A_152 = vector.shape_cast %broadcast_in_dim3A_3 : vector<16xf32> to vector<16xf32>
    tpu.vector_store %arg11[%swap3A_149], %swap3A_152 {strides = array<i32>} : memref<640xf32, #tpu.memory_space<vmem>>, vector<16xf32>,
    %swap3A_153 = arith.constant 464 : index
    %swap3A_154 = tpu.vector_load %arg11[%swap3A_153] {strides = array<i32>} : memref<640xf32, #tpu.memory_space<vmem>>, vector<16xf32>,
    %swap3A_155 = vector.shape_cast %swap3A_154 : vector<16xf32> to vector<16xf32>
    %swap3A_156 = vector.shape_cast %broadcast_in_dim3A_3 : vector<16xf32> to vector<16xf32>
    tpu.vector_store %arg11[%swap3A_153], %swap3A_156 {strides = array<i32>} : memref<640xf32, #tpu.memory_space<vmem>>, vector<16xf32>,
    %swap3A_157 = arith.constant 480 : index
    %swap3A_158 = tpu.vector_load %arg11[%swap3A_157] {strides = array<i32>} : memref<640xf32, #tpu.memory_space<vmem>>, vector<16xf32>,
    %swap3A_159 = vector.shape_cast %swap3A_158 : vector<16xf32> to vector<16xf32>
    %swap3A_160 = vector.shape_cast %broadcast_in_dim3A_3 : vector<16xf32> to vector<16xf32>
    tpu.vector_store %arg11[%swap3A_157], %swap3A_160 {strides = array<i32>} : memref<640xf32, #tpu.memory_space<vmem>>, vector<16xf32>,
    %swap3A_161 = arith.constant 496 : index
    %swap3A_162 = tpu.vector_load %arg11[%swap3A_161] {strides = array<i32>} : memref<640xf32, #tpu.memory_space<vmem>>, vector<16xf32>,
    %swap3A_163 = vector.shape_cast %swap3A_162 : vector<16xf32> to vector<16xf32>
    %swap3A_164 = vector.shape_cast %broadcast_in_dim3A_3 : vector<16xf32> to vector<16xf32>
    tpu.vector_store %arg11[%swap3A_161], %swap3A_164 {strides = array<i32>} : memref<640xf32, #tpu.memory_space<vmem>>, vector<16xf32>,
    %swap3A_165 = arith.constant 512 : index
    %swap3A_166 = tpu.vector_load %arg11[%swap3A_165] {strides = array<i32>} : memref<640xf32, #tpu.memory_space<vmem>>, vector<16xf32>,
    %swap3A_167 = vector.shape_cast %swap3A_166 : vector<16xf32> to vector<16xf32>
    %swap3A_168 = vector.shape_cast %broadcast_in_dim3A_3 : vector<16xf32> to vector<16xf32>
    tpu.vector_store %arg11[%swap3A_165], %swap3A_168 {strides = array<i32>} : memref<640xf32, #tpu.memory_space<vmem>>, vector<16xf32>,
    %swap3A_169 = arith.constant 528 : index
    %swap3A_170 = tpu.vector_load %arg11[%swap3A_169] {strides = array<i32>} : memref<640xf32, #tpu.memory_space<vmem>>, vector<16xf32>,
    %swap3A_171 = vector.shape_cast %swap3A_170 : vector<16xf32> to vector<16xf32>
    %swap3A_172 = vector.shape_cast %broadcast_in_dim3A_3 : vector<16xf32> to vector<16xf32>
    tpu.vector_store %arg11[%swap3A_169], %swap3A_172 {strides = array<i32>} : memref<640xf32, #tpu.memory_space<vmem>>, vector<16xf32>,
    %swap3A_173 = arith.constant 544 : index
    %swap3A_174 = tpu.vector_load %arg11[%swap3A_173] {strides = array<i32>} : memref<640xf32, #tpu.memory_space<vmem>>, vector<16xf32>,
    %swap3A_175 = vector.shape_cast %swap3A_174 : vector<16xf32> to vector<16xf32>
    %swap3A_176 = vector.shape_cast %broadcast_in_dim3A_3 : vector<16xf32> to vector<16xf32>
    tpu.vector_store %arg11[%swap3A_173], %swap3A_176 {strides = array<i32>} : memref<640xf32, #tpu.memory_space<vmem>>, vector<16xf32>,
    %swap3A_177 = arith.constant 560 : index
    %swap3A_178 = tpu.vector_load %arg11[%swap3A_177] {strides = array<i32>} : memref<640xf32, #tpu.memory_space<vmem>>, vector<16xf32>,
    %swap3A_179 = vector.shape_cast %swap3A_178 : vector<16xf32> to vector<16xf32>
    %swap3A_180 = vector.shape_cast %broadcast_in_dim3A_3 : vector<16xf32> to vector<16xf32>
    tpu.vector_store %arg11[%swap3A_177], %swap3A_180 {strides = array<i32>} : memref<640xf32, #tpu.memory_space<vmem>>, vector<16xf32>,
    %swap3A_181 = arith.constant 576 : index
    %swap3A_182 = tpu.vector_load %arg11[%swap3A_181] {strides = array<i32>} : memref<640xf32, #tpu.memory_space<vmem>>, vector<16xf32>,
    %swap3A_183 = vector.shape_cast %swap3A_182 : vector<16xf32> to vector<16xf32>
    %swap3A_184 = vector.shape_cast %broadcast_in_dim3A_3 : vector<16xf32> to vector<16xf32>
    tpu.vector_store %arg11[%swap3A_181], %swap3A_184 {strides = array<i32>} : memref<640xf32, #tpu.memory_space<vmem>>, vector<16xf32>,
    %swap3A_185 = arith.constant 592 : index
    %swap3A_186 = tpu.vector_load %arg11[%swap3A_185] {strides = array<i32>} : memref<640xf32, #tpu.memory_space<vmem>>, vector<16xf32>,
    %swap3A_187 = vector.shape_cast %swap3A_186 : vector<16xf32> to vector<16xf32>
    %swap3A_188 = vector.shape_cast %broadcast_in_dim3A_3 : vector<16xf32> to vector<16xf32>
    tpu.vector_store %arg11[%swap3A_185], %swap3A_188 {strides = array<i32>} : memref<640xf32, #tpu.memory_space<vmem>>, vector<16xf32>,
    %swap3A_189 = arith.constant 608 : index
    %swap3A_190 = tpu.vector_load %arg11[%swap3A_189] {strides = array<i32>} : memref<640xf32, #tpu.memory_space<vmem>>, vector<16xf32>,
    %swap3A_191 = vector.shape_cast %swap3A_190 : vector<16xf32> to vector<16xf32>
    %swap3A_192 = vector.shape_cast %broadcast_in_dim3A_3 : vector<16xf32> to vector<16xf32>
    tpu.vector_store %arg11[%swap3A_189], %swap3A_192 {strides = array<i32>} : memref<640xf32, #tpu.memory_space<vmem>>, vector<16xf32>,
    %swap3A_193 = arith.constant 624 : index
    %swap3A_194 = tpu.vector_load %arg11[%swap3A_193] {strides = array<i32>} : memref<640xf32, #tpu.memory_space<vmem>>, vector<16xf32>,
    %swap3A_195 = vector.shape_cast %swap3A_194 : vector<16xf32> to vector<16xf32>
    %swap3A_196 = vector.shape_cast %broadcast_in_dim3A_3 : vector<16xf32> to vector<16xf32>
    tpu.vector_store %arg11[%swap3A_193], %swap3A_196 {strides = array<i32>} : memref<640xf32, #tpu.memory_space<vmem>>, vector<16xf32>,
    "tpu.region"() ({
      %run_scoped3A = tpu.sem_alloc : memref<!tpu.dma_semaphore, #tpu.memory_space<semaphore_mem>>
      %dma_start3A = tpu.memref_slice %arg2[%mul3A_2] : memref<327680xi32, #tpu.memory_space<hbm>> -> memref<128xi32, #tpu.memory_space<hbm>>
      %dma_start3A_216 = tpu.memref_slice %arg2[%mul3A_2] : memref<327680xi32, #tpu.memory_space<hbm>> -> memref<128xi32, #tpu.memory_space<hbm>>
      tpu.enqueue_dma source(%dma_start3A_216 : memref<128xi32, #tpu.memory_space<hbm>>) target(%arg6 : memref<128xi32, #tpu.memory_space<vmem>>) target_semaphore(%run_scoped3A : memref<!tpu.dma_semaphore, #tpu.memory_space<semaphore_mem>>)
      %dma_wait3A = tpu.memref_slice %arg2[%mul3A_2] : memref<327680xi32, #tpu.memory_space<hbm>> -> memref<128xi32, #tpu.memory_space<hbm>>
      %dma_wait3A_217 = tpu.memref_slice %arg2[%mul3A_2] : memref<327680xi32, #tpu.memory_space<hbm>> -> memref<128xi32, #tpu.memory_space<hbm>>
      tpu.wait_dma2 semaphore(%run_scoped3A : memref<!tpu.dma_semaphore, #tpu.memory_space<semaphore_mem>>) src(%dma_wait3A_217 : memref<128xi32, #tpu.memory_space<hbm>>) dst(%arg6 : memref<128xi32, #tpu.memory_space<vmem>>)
      tpu.yield
    }) : () -> ()
    "tpu.region"() ({
      %run_scoped3A = tpu.sem_alloc : memref<!tpu.dma_semaphore, #tpu.memory_space<semaphore_mem>>
      %dma_start3A = tpu.memref_slice %arg3[%mul3A_2] : memref<327680xi32, #tpu.memory_space<hbm>> -> memref<128xi32, #tpu.memory_space<hbm>>
      %dma_start3A_216 = tpu.memref_slice %arg3[%mul3A_2] : memref<327680xi32, #tpu.memory_space<hbm>> -> memref<128xi32, #tpu.memory_space<hbm>>
      tpu.enqueue_dma source(%dma_start3A_216 : memref<128xi32, #tpu.memory_space<hbm>>) target(%arg7 : memref<128xi32, #tpu.memory_space<vmem>>) target_semaphore(%run_scoped3A : memref<!tpu.dma_semaphore, #tpu.memory_space<semaphore_mem>>)
      %dma_wait3A = tpu.memref_slice %arg3[%mul3A_2] : memref<327680xi32, #tpu.memory_space<hbm>> -> memref<128xi32, #tpu.memory_space<hbm>>
      %dma_wait3A_217 = tpu.memref_slice %arg3[%mul3A_2] : memref<327680xi32, #tpu.memory_space<hbm>> -> memref<128xi32, #tpu.memory_space<hbm>>
      tpu.wait_dma2 semaphore(%run_scoped3A : memref<!tpu.dma_semaphore, #tpu.memory_space<semaphore_mem>>) src(%dma_wait3A_217 : memref<128xi32, #tpu.memory_space<hbm>>) dst(%arg7 : memref<128xi32, #tpu.memory_space<vmem>>)
      tpu.yield
    }) : () -> ()
    %mul3A_197 = arith.constant 640 : i32
    %mul3A_198 = arith.muli %arg1, %mul3A_197 : i32
    "tpu.region"() ({
      %run_scoped3A = tpu.sem_alloc : memref<!tpu.dma_semaphore, #tpu.memory_space<semaphore_mem>>
      %dma_start3A = tpu.memref_slice %arg12[%mul3A_198] : memref<10240xf32, #tpu.memory_space<vmem_shared>> -> memref<640xf32, #tpu.memory_space<vmem_shared>>
      %dma_start3A_216 = tpu.memref_slice %arg12[%mul3A_198] : memref<10240xf32, #tpu.memory_space<vmem_shared>> -> memref<640xf32, #tpu.memory_space<vmem_shared>>
      tpu.enqueue_dma source(%arg11 : memref<640xf32, #tpu.memory_space<vmem>>) target(%dma_start3A_216 : memref<640xf32, #tpu.memory_space<vmem_shared>>) target_semaphore(%run_scoped3A : memref<!tpu.dma_semaphore, #tpu.memory_space<semaphore_mem>>)
      %dma_wait3A = tpu.memref_slice %arg12[%mul3A_198] : memref<10240xf32, #tpu.memory_space<vmem_shared>> -> memref<640xf32, #tpu.memory_space<vmem_shared>>
      %dma_wait3A_217 = tpu.memref_slice %arg12[%mul3A_198] : memref<10240xf32, #tpu.memory_space<vmem_shared>> -> memref<640xf32, #tpu.memory_space<vmem_shared>>
      tpu.wait_dma2 semaphore(%run_scoped3A : memref<!tpu.dma_semaphore, #tpu.memory_space<semaphore_mem>>) src(%arg11 : memref<640xf32, #tpu.memory_space<vmem>>) dst(%dma_wait3A_217 : memref<640xf32, #tpu.memory_space<vmem_shared>>)
      tpu.yield
    }) : () -> ()
    %mul3A_199 = arith.constant 640 : i32
    %mul3A_200 = arith.muli %arg1, %mul3A_199 : i32
    "tpu.region"() ({
      %run_scoped3A = tpu.sem_alloc : memref<!tpu.dma_semaphore, #tpu.memory_space<semaphore_mem>>
      %dma_start3A = tpu.memref_slice %arg13[%mul3A_200] : memref<10240xf32, #tpu.memory_space<vmem_shared>> -> memref<640xf32, #tpu.memory_space<vmem_shared>>
      %dma_start3A_216 = tpu.memref_slice %arg13[%mul3A_200] : memref<10240xf32, #tpu.memory_space<vmem_shared>> -> memref<640xf32, #tpu.memory_space<vmem_shared>>
      tpu.enqueue_dma source(%arg11 : memref<640xf32, #tpu.memory_space<vmem>>) target(%dma_start3A_216 : memref<640xf32, #tpu.memory_space<vmem_shared>>) target_semaphore(%run_scoped3A : memref<!tpu.dma_semaphore, #tpu.memory_space<semaphore_mem>>)
      %dma_wait3A = tpu.memref_slice %arg13[%mul3A_200] : memref<10240xf32, #tpu.memory_space<vmem_shared>> -> memref<640xf32, #tpu.memory_space<vmem_shared>>
      %dma_wait3A_217 = tpu.memref_slice %arg13[%mul3A_200] : memref<10240xf32, #tpu.memory_space<vmem_shared>> -> memref<640xf32, #tpu.memory_space<vmem_shared>>
      tpu.wait_dma2 semaphore(%run_scoped3A : memref<!tpu.dma_semaphore, #tpu.memory_space<semaphore_mem>>) src(%arg11 : memref<640xf32, #tpu.memory_space<vmem>>) dst(%dma_wait3A_217 : memref<640xf32, #tpu.memory_space<vmem_shared>>)
      tpu.yield
    }) : () -> ()
    %barrier3A = arith.constant 0 : index
    tpu.barrier barrier_id(%barrier3A)
    %scan3A = arith.constant 0 : i32
    %scan3A_201 = arith.constant 0 : i32
    %scan3A_202 = arith.constant 40 : i32
    %scan3A_203 = arith.addi %scan3A_201, %scan3A_202 : i32
    %scan3A_204 = arith.constant 1 : i32
    scf.for %scan3A_216 = %scan3A_201 to %scan3A_203 step %scan3A_204  : i32 {
      %mul3A_217 = arith.constant 2 : i32
      %mul3A_218 = arith.muli %mul3A_217, %scan3A_216 : i32
      %dma_start3A = arith.constant 0 : i32
      %dma_start3A_219 = tpu.memref_slice %arg12[%dma_start3A] : memref<10240xf32, #tpu.memory_space<vmem_shared>> -> memref<10240xf32, #tpu.memory_space<vmem_shared>>
      tpu.enqueue_indirect_dma source(%arg10 : memref<128xf32, #tpu.memory_space<vmem>>) target(%dma_start3A_219 : memref<10240xf32, #tpu.memory_space<vmem_shared>>) offsets(%arg6 : memref<128xi32, #tpu.memory_space<vmem>>) semaphore(%arg16 : memref<!tpu.dma_semaphore, #tpu.memory_space<semaphore_mem>>) {add = true}
      %dma_start3A_220 = arith.constant 0 : i32
      %dma_start3A_221 = tpu.memref_slice %arg13[%dma_start3A_220] : memref<10240xf32, #tpu.memory_space<vmem_shared>> -> memref<10240xf32, #tpu.memory_space<vmem_shared>>
      tpu.enqueue_indirect_dma source(%arg10 : memref<128xf32, #tpu.memory_space<vmem>>) target(%dma_start3A_221 : memref<10240xf32, #tpu.memory_space<vmem_shared>>) offsets(%arg7 : memref<128xi32, #tpu.memory_space<vmem>>) semaphore(%arg16 : memref<!tpu.dma_semaphore, #tpu.memory_space<semaphore_mem>>) {add = true}
      %add3A_222 = arith.constant 1 : i32
      %add3A_223 = arith.addi %mul3A_218, %add3A_222 : i32
      %mul3A_224 = arith.constant 128 : i32
      %mul3A_225 = arith.muli %add3A_223, %mul3A_224 : i32
      %add3A_226 = arith.addi %mul3A_2, %mul3A_225 : i32
      %dma_start3A_227 = tpu.memref_slice %arg2[%add3A_226] : memref<327680xi32, #tpu.memory_space<hbm>> -> memref<128xi32, #tpu.memory_space<hbm>>
      %dma_start3A_228 = tpu.memref_slice %arg2[%add3A_226] : memref<327680xi32, #tpu.memory_space<hbm>> -> memref<128xi32, #tpu.memory_space<hbm>>
      tpu.enqueue_dma source(%dma_start3A_228 : memref<128xi32, #tpu.memory_space<hbm>>) target(%arg8 : memref<128xi32, #tpu.memory_space<vmem>>) target_semaphore(%arg15 : memref<!tpu.dma_semaphore, #tpu.memory_space<semaphore_mem>>)
      %dma_start3A_229 = tpu.memref_slice %arg3[%add3A_226] : memref<327680xi32, #tpu.memory_space<hbm>> -> memref<128xi32, #tpu.memory_space<hbm>>
      %dma_start3A_230 = tpu.memref_slice %arg3[%add3A_226] : memref<327680xi32, #tpu.memory_space<hbm>> -> memref<128xi32, #tpu.memory_space<hbm>>
      tpu.enqueue_dma source(%dma_start3A_230 : memref<128xi32, #tpu.memory_space<hbm>>) target(%arg9 : memref<128xi32, #tpu.memory_space<vmem>>) target_semaphore(%arg15 : memref<!tpu.dma_semaphore, #tpu.memory_space<semaphore_mem>>)
      %dma_wait3A = arith.constant 0 : i32
      %dma_wait3A_231 = tpu.memref_slice %arg12[%dma_wait3A] : memref<10240xf32, #tpu.memory_space<vmem_shared>> -> memref<10240xf32, #tpu.memory_space<vmem_shared>>
      tpu.wait_indirect_dma semaphore(%arg16 : memref<!tpu.dma_semaphore, #tpu.memory_space<semaphore_mem>>) src(%arg10 : memref<128xf32, #tpu.memory_space<vmem>>) dst(%dma_wait3A_231 : memref<10240xf32, #tpu.memory_space<vmem_shared>>)
      %dma_wait3A_232 = arith.constant 0 : i32
      %dma_wait3A_233 = tpu.memref_slice %arg13[%dma_wait3A_232] : memref<10240xf32, #tpu.memory_space<vmem_shared>> -> memref<10240xf32, #tpu.memory_space<vmem_shared>>
      tpu.wait_indirect_dma semaphore(%arg16 : memref<!tpu.dma_semaphore, #tpu.memory_space<semaphore_mem>>) src(%arg10 : memref<128xf32, #tpu.memory_space<vmem>>) dst(%dma_wait3A_233 : memref<10240xf32, #tpu.memory_space<vmem_shared>>)
      %dma_wait3A_234 = tpu.memref_slice %arg2[%add3A_226] : memref<327680xi32, #tpu.memory_space<hbm>> -> memref<128xi32, #tpu.memory_space<hbm>>
      %dma_wait3A_235 = tpu.memref_slice %arg2[%add3A_226] : memref<327680xi32, #tpu.memory_space<hbm>> -> memref<128xi32, #tpu.memory_space<hbm>>
      tpu.wait_dma2 semaphore(%arg15 : memref<!tpu.dma_semaphore, #tpu.memory_space<semaphore_mem>>) src(%dma_wait3A_235 : memref<128xi32, #tpu.memory_space<hbm>>) dst(%arg8 : memref<128xi32, #tpu.memory_space<vmem>>)
      %dma_wait3A_236 = tpu.memref_slice %arg3[%add3A_226] : memref<327680xi32, #tpu.memory_space<hbm>> -> memref<128xi32, #tpu.memory_space<hbm>>
      %dma_wait3A_237 = tpu.memref_slice %arg3[%add3A_226] : memref<327680xi32, #tpu.memory_space<hbm>> -> memref<128xi32, #tpu.memory_space<hbm>>
      tpu.wait_dma2 semaphore(%arg15 : memref<!tpu.dma_semaphore, #tpu.memory_space<semaphore_mem>>) src(%dma_wait3A_237 : memref<128xi32, #tpu.memory_space<hbm>>) dst(%arg9 : memref<128xi32, #tpu.memory_space<vmem>>)
      %dma_start3A_238 = arith.constant 0 : i32
      %dma_start3A_239 = tpu.memref_slice %arg12[%dma_start3A_238] : memref<10240xf32, #tpu.memory_space<vmem_shared>> -> memref<10240xf32, #tpu.memory_space<vmem_shared>>
      tpu.enqueue_indirect_dma source(%arg10 : memref<128xf32, #tpu.memory_space<vmem>>) target(%dma_start3A_239 : memref<10240xf32, #tpu.memory_space<vmem_shared>>) offsets(%arg8 : memref<128xi32, #tpu.memory_space<vmem>>) semaphore(%arg17 : memref<!tpu.dma_semaphore, #tpu.memory_space<semaphore_mem>>) {add = true}
      %dma_start3A_240 = arith.constant 0 : i32
      %dma_start3A_241 = tpu.memref_slice %arg13[%dma_start3A_240] : memref<10240xf32, #tpu.memory_space<vmem_shared>> -> memref<10240xf32, #tpu.memory_space<vmem_shared>>
      tpu.enqueue_indirect_dma source(%arg10 : memref<128xf32, #tpu.memory_space<vmem>>) target(%dma_start3A_241 : memref<10240xf32, #tpu.memory_space<vmem_shared>>) offsets(%arg9 : memref<128xi32, #tpu.memory_space<vmem>>) semaphore(%arg17 : memref<!tpu.dma_semaphore, #tpu.memory_space<semaphore_mem>>) {add = true}
      %add3A_242 = arith.constant 2 : i32
      %add3A_243 = arith.addi %mul3A_218, %add3A_242 : i32
      %mul3A_244 = arith.constant 128 : i32
      %mul3A_245 = arith.muli %add3A_243, %mul3A_244 : i32
      %add3A_246 = arith.addi %mul3A_2, %mul3A_245 : i32
      %add3A_247 = arith.constant 10112 : i32
      %add3A_248 = arith.addi %mul3A_2, %add3A_247 : i32
      %min3A = arith.minsi %add3A_246, %add3A_248 : i32
      %dma_start3A_249 = tpu.memref_slice %arg2[%min3A] : memref<327680xi32, #tpu.memory_space<hbm>> -> memref<128xi32, #tpu.memory_space<hbm>>
      %dma_start3A_250 = tpu.memref_slice %arg2[%min3A] : memref<327680xi32, #tpu.memory_space<hbm>> -> memref<128xi32, #tpu.memory_space<hbm>>
      tpu.enqueue_dma source(%dma_start3A_250 : memref<128xi32, #tpu.memory_space<hbm>>) target(%arg6 : memref<128xi32, #tpu.memory_space<vmem>>) target_semaphore(%arg14 : memref<!tpu.dma_semaphore, #tpu.memory_space<semaphore_mem>>)
      %dma_start3A_251 = tpu.memref_slice %arg3[%min3A] : memref<327680xi32, #tpu.memory_space<hbm>> -> memref<128xi32, #tpu.memory_space<hbm>>
      %dma_start3A_252 = tpu.memref_slice %arg3[%min3A] : memref<327680xi32, #tpu.memory_space<hbm>> -> memref<128xi32, #tpu.memory_space<hbm>>
      tpu.enqueue_dma source(%dma_start3A_252 : memref<128xi32, #tpu.memory_space<hbm>>) target(%arg7 : memref<128xi32, #tpu.memory_space<vmem>>) target_semaphore(%arg14 : memref<!tpu.dma_semaphore, #tpu.memory_space<semaphore_mem>>)
      %dma_wait3A_253 = arith.constant 0 : i32
      %dma_wait3A_254 = tpu.memref_slice %arg12[%dma_wait3A_253] : memref<10240xf32, #tpu.memory_space<vmem_shared>> -> memref<10240xf32, #tpu.memory_space<vmem_shared>>
      tpu.wait_indirect_dma semaphore(%arg17 : memref<!tpu.dma_semaphore, #tpu.memory_space<semaphore_mem>>) src(%arg10 : memref<128xf32, #tpu.memory_space<vmem>>) dst(%dma_wait3A_254 : memref<10240xf32, #tpu.memory_space<vmem_shared>>)
      %dma_wait3A_255 = arith.constant 0 : i32
      %dma_wait3A_256 = tpu.memref_slice %arg13[%dma_wait3A_255] : memref<10240xf32, #tpu.memory_space<vmem_shared>> -> memref<10240xf32, #tpu.memory_space<vmem_shared>>
      tpu.wait_indirect_dma semaphore(%arg17 : memref<!tpu.dma_semaphore, #tpu.memory_space<semaphore_mem>>) src(%arg10 : memref<128xf32, #tpu.memory_space<vmem>>) dst(%dma_wait3A_256 : memref<10240xf32, #tpu.memory_space<vmem_shared>>)
      %dma_wait3A_257 = tpu.memref_slice %arg2[%min3A] : memref<327680xi32, #tpu.memory_space<hbm>> -> memref<128xi32, #tpu.memory_space<hbm>>
      %dma_wait3A_258 = tpu.memref_slice %arg2[%min3A] : memref<327680xi32, #tpu.memory_space<hbm>> -> memref<128xi32, #tpu.memory_space<hbm>>
      tpu.wait_dma2 semaphore(%arg14 : memref<!tpu.dma_semaphore, #tpu.memory_space<semaphore_mem>>) src(%dma_wait3A_258 : memref<128xi32, #tpu.memory_space<hbm>>) dst(%arg6 : memref<128xi32, #tpu.memory_space<vmem>>)
      %dma_wait3A_259 = tpu.memref_slice %arg3[%min3A] : memref<327680xi32, #tpu.memory_space<hbm>> -> memref<128xi32, #tpu.memory_space<hbm>>
      %dma_wait3A_260 = tpu.memref_slice %arg3[%min3A] : memref<327680xi32, #tpu.memory_space<hbm>> -> memref<128xi32, #tpu.memory_space<hbm>>
      tpu.wait_dma2 semaphore(%arg14 : memref<!tpu.dma_semaphore, #tpu.memory_space<semaphore_mem>>) src(%dma_wait3A_260 : memref<128xi32, #tpu.memory_space<hbm>>) dst(%arg7 : memref<128xi32, #tpu.memory_space<vmem>>)
    }
    %scan3A_205 = arith.constant 40 : i32
    %barrier3A_206 = arith.constant 0 : index
    tpu.barrier barrier_id(%barrier3A_206)
    %mul3A_207 = arith.constant 10240 : i32
    %mul3A_208 = arith.muli %arg0, %mul3A_207 : i32
    %mul3A_209 = arith.constant 640 : i32
    %mul3A_210 = arith.muli %arg1, %mul3A_209 : i32
    %add3A_211 = arith.addi %mul3A_208, %mul3A_210 : i32
    %mul3A_212 = arith.constant 640 : i32
    %mul3A_213 = arith.muli %arg1, %mul3A_212 : i32
    "tpu.region"() ({
      %run_scoped3A = tpu.sem_alloc : memref<!tpu.dma_semaphore, #tpu.memory_space<semaphore_mem>>
      %dma_start3A = tpu.memref_slice %arg4[%add3A_211] : memref<20480xf32, #tpu.memory_space<hbm>> -> memref<640xf32, #tpu.memory_space<hbm>>
      %dma_start3A_216 = tpu.memref_slice %arg12[%mul3A_213] : memref<10240xf32, #tpu.memory_space<vmem_shared>> -> memref<640xf32, #tpu.memory_space<vmem_shared>>
      tpu.enqueue_dma source(%dma_start3A_216 : memref<640xf32, #tpu.memory_space<vmem_shared>>) target(%dma_start3A : memref<640xf32, #tpu.memory_space<hbm>>) target_semaphore(%run_scoped3A : memref<!tpu.dma_semaphore, #tpu.memory_space<semaphore_mem>>)
      %dma_wait3A = tpu.memref_slice %arg4[%add3A_211] : memref<20480xf32, #tpu.memory_space<hbm>> -> memref<640xf32, #tpu.memory_space<hbm>>
      %dma_wait3A_217 = tpu.memref_slice %arg12[%mul3A_213] : memref<10240xf32, #tpu.memory_space<vmem_shared>> -> memref<640xf32, #tpu.memory_space<vmem_shared>>
      tpu.wait_dma2 semaphore(%run_scoped3A : memref<!tpu.dma_semaphore, #tpu.memory_space<semaphore_mem>>) src(%dma_wait3A_217 : memref<640xf32, #tpu.memory_space<vmem_shared>>) dst(%dma_wait3A : memref<640xf32, #tpu.memory_space<hbm>>)
      tpu.yield
    }) : () -> ()
    %mul3A_214 = arith.constant 640 : i32
    %mul3A_215 = arith.muli %arg1, %mul3A_214 : i32
    "tpu.region"() ({
      %run_scoped3A = tpu.sem_alloc : memref<!tpu.dma_semaphore, #tpu.memory_space<semaphore_mem>>
      %dma_start3A = tpu.memref_slice %arg5[%add3A_211] : memref<20480xf32, #tpu.memory_space<hbm>> -> memref<640xf32, #tpu.memory_space<hbm>>
      %dma_start3A_216 = tpu.memref_slice %arg13[%mul3A_215] : memref<10240xf32, #tpu.memory_space<vmem_shared>> -> memref<640xf32, #tpu.memory_space<vmem_shared>>
      tpu.enqueue_dma source(%dma_start3A_216 : memref<640xf32, #tpu.memory_space<vmem_shared>>) target(%dma_start3A : memref<640xf32, #tpu.memory_space<hbm>>) target_semaphore(%run_scoped3A : memref<!tpu.dma_semaphore, #tpu.memory_space<semaphore_mem>>)
      %dma_wait3A = tpu.memref_slice %arg5[%add3A_211] : memref<20480xf32, #tpu.memory_space<hbm>> -> memref<640xf32, #tpu.memory_space<hbm>>
      %dma_wait3A_217 = tpu.memref_slice %arg13[%mul3A_215] : memref<10240xf32, #tpu.memory_space<vmem_shared>> -> memref<640xf32, #tpu.memory_space<vmem_shared>>
      tpu.wait_dma2 semaphore(%run_scoped3A : memref<!tpu.dma_semaphore, #tpu.memory_space<semaphore_mem>>) src(%dma_wait3A_217 : memref<640xf32, #tpu.memory_space<vmem_shared>>) dst(%dma_wait3A : memref<640xf32, #tpu.memory_space<hbm>>)
      tpu.yield
    }) : () -> ()
    return
  }
}

#map = affine_map<(d0, d1) -> (0, 0)>
#map1 = affine_map<(d0, d1) -> (0)>
module attributes {stable_mosaic.version = 14 : i64} {
  func.func @_edge_pass(%arg0: i32, %arg1: i32, %arg2: memref<10240x128xf32, #tpu.memory_space<hbm>>, %arg3: memref<327680xi32, #tpu.memory_space<hbm>>, %arg4: memref<327680xi32, #tpu.memory_space<hbm>>, %arg5: memref<128x128xf32, #tpu.memory_space<hbm>>, %arg6: memref<20480x128xf32, #tpu.memory_space<hbm>>, %arg7: memref<128xi32, #tpu.memory_space<vmem>>, %arg8: memref<128xi32, #tpu.memory_space<vmem>>, %arg9: memref<128xi32, #tpu.memory_space<vmem>>, %arg10: memref<128xi32, #tpu.memory_space<vmem>>, %arg11: memref<128x128xf32, #tpu.memory_space<vmem>>, %arg12: memref<128x128xf32, #tpu.memory_space<vmem>>, %arg13: memref<10240x128xf32, #tpu.memory_space<vmem_shared>>, %arg14: memref<!tpu.dma_semaphore, #tpu.memory_space<semaphore_mem>>, %arg15: memref<!tpu.dma_semaphore, #tpu.memory_space<semaphore_mem>>, %arg16: memref<!tpu.dma_semaphore, #tpu.memory_space<semaphore_mem>>, %arg17: memref<!tpu.dma_semaphore, #tpu.memory_space<semaphore_mem>>) attributes {dimension_semantics = [#tpu.dimension_semantics<core_parallel>, #tpu.dimension_semantics<subcore_parallel>], iteration_bounds = array<i64: 2, 16>, scalar_prefetch = 0 : i64, scratch_operands = 11 : i64, tpu.core_type = #tpu.core_type<sc_vector_subcore>, window_params = [{transform_indices = #map}, {transform_indices = #map1}, {transform_indices = #map1}, {transform_indices = #map}, {transform_indices = #map}]} {
    %eq3A = arith.constant 0 : i32
    %eq3A_0 = arith.cmpi eq, %arg0, %eq3A : i32
    %jit3A = arith.constant 80 : i32
    %jit3A_1 = arith.constant 80 : i32
    %select_n3A = arith.select %eq3A_0, %jit3A, %jit3A_1 : i32
    %eq3A_2 = arith.constant 0 : i32
    %eq3A_3 = arith.cmpi eq, %arg0, %eq3A_2 : i32
    %mul3A = arith.constant 80 : i32
    %mul3A_4 = arith.muli %arg1, %mul3A : i32
    %mul3A_5 = arith.constant 80 : i32
    %mul3A_6 = arith.muli %arg1, %mul3A_5 : i32
    %add3A = arith.constant 1280 : i32
    %add3A_7 = arith.addi %add3A, %mul3A_6 : i32
    %select_n3A_8 = arith.select %eq3A_3, %mul3A_4, %add3A_7 : i32
    %mul3A_9 = arith.constant 128 : i32
    %mul3A_10 = arith.muli %select_n3A_8, %mul3A_9 : i32
    "tpu.region"() ({
      %run_scoped3A = tpu.sem_alloc : memref<!tpu.dma_semaphore, #tpu.memory_space<semaphore_mem>>
      tpu.enqueue_dma source(%arg5 : memref<128x128xf32, #tpu.memory_space<hbm>>) target(%arg11 : memref<128x128xf32, #tpu.memory_space<vmem>>) target_semaphore(%run_scoped3A : memref<!tpu.dma_semaphore, #tpu.memory_space<semaphore_mem>>)
      tpu.wait_dma2 semaphore(%run_scoped3A : memref<!tpu.dma_semaphore, #tpu.memory_space<semaphore_mem>>) src(%arg5 : memref<128x128xf32, #tpu.memory_space<hbm>>) dst(%arg11 : memref<128x128xf32, #tpu.memory_space<vmem>>)
      tpu.yield
    }) : () -> ()
    %mul3A_11 = arith.constant 640 : i32
    %mul3A_12 = arith.muli %arg1, %mul3A_11 : i32
    %add3A_13 = arith.constant 0 : i32
    %add3A_14 = arith.addi %mul3A_12, %add3A_13 : i32
    "tpu.region"() ({
      %run_scoped3A = tpu.sem_alloc : memref<!tpu.dma_semaphore, #tpu.memory_space<semaphore_mem>>
      %dma_start3A = arith.constant 0 : i32
      %dma_start3A_48 = tpu.memref_slice %arg13[%add3A_14, %dma_start3A] : memref<10240x128xf32, #tpu.memory_space<vmem_shared>> -> memref<128x128xf32, #tpu.memory_space<vmem_shared>>
      %dma_start3A_49 = arith.constant 0 : i32
      %dma_start3A_50 = tpu.memref_slice %arg13[%add3A_14, %dma_start3A_49] : memref<10240x128xf32, #tpu.memory_space<vmem_shared>> -> memref<128x128xf32, #tpu.memory_space<vmem_shared>>
      tpu.enqueue_dma source(%arg11 : memref<128x128xf32, #tpu.memory_space<vmem>>) target(%dma_start3A_50 : memref<128x128xf32, #tpu.memory_space<vmem_shared>>) target_semaphore(%run_scoped3A : memref<!tpu.dma_semaphore, #tpu.memory_space<semaphore_mem>>)
      %dma_wait3A = arith.constant 0 : i32
      %dma_wait3A_51 = tpu.memref_slice %arg13[%add3A_14, %dma_wait3A] : memref<10240x128xf32, #tpu.memory_space<vmem_shared>> -> memref<128x128xf32, #tpu.memory_space<vmem_shared>>
      %dma_wait3A_52 = arith.constant 0 : i32
      %dma_wait3A_53 = tpu.memref_slice %arg13[%add3A_14, %dma_wait3A_52] : memref<10240x128xf32, #tpu.memory_space<vmem_shared>> -> memref<128x128xf32, #tpu.memory_space<vmem_shared>>
      tpu.wait_dma2 semaphore(%run_scoped3A : memref<!tpu.dma_semaphore, #tpu.memory_space<semaphore_mem>>) src(%arg11 : memref<128x128xf32, #tpu.memory_space<vmem>>) dst(%dma_wait3A_53 : memref<128x128xf32, #tpu.memory_space<vmem_shared>>)
      tpu.yield
    }) : () -> ()
    %mul3A_15 = arith.constant 640 : i32
    %mul3A_16 = arith.muli %arg1, %mul3A_15 : i32
    %add3A_17 = arith.constant 128 : i32
    %add3A_18 = arith.addi %mul3A_16, %add3A_17 : i32
    "tpu.region"() ({
      %run_scoped3A = tpu.sem_alloc : memref<!tpu.dma_semaphore, #tpu.memory_space<semaphore_mem>>
      %dma_start3A = arith.constant 0 : i32
      %dma_start3A_48 = tpu.memref_slice %arg13[%add3A_18, %dma_start3A] : memref<10240x128xf32, #tpu.memory_space<vmem_shared>> -> memref<128x128xf32, #tpu.memory_space<vmem_shared>>
      %dma_start3A_49 = arith.constant 0 : i32
      %dma_start3A_50 = tpu.memref_slice %arg13[%add3A_18, %dma_start3A_49] : memref<10240x128xf32, #tpu.memory_space<vmem_shared>> -> memref<128x128xf32, #tpu.memory_space<vmem_shared>>
      tpu.enqueue_dma source(%arg11 : memref<128x128xf32, #tpu.memory_space<vmem>>) target(%dma_start3A_50 : memref<128x128xf32, #tpu.memory_space<vmem_shared>>) target_semaphore(%run_scoped3A : memref<!tpu.dma_semaphore, #tpu.memory_space<semaphore_mem>>)
      %dma_wait3A = arith.constant 0 : i32
      %dma_wait3A_51 = tpu.memref_slice %arg13[%add3A_18, %dma_wait3A] : memref<10240x128xf32, #tpu.memory_space<vmem_shared>> -> memref<128x128xf32, #tpu.memory_space<vmem_shared>>
      %dma_wait3A_52 = arith.constant 0 : i32
      %dma_wait3A_53 = tpu.memref_slice %arg13[%add3A_18, %dma_wait3A_52] : memref<10240x128xf32, #tpu.memory_space<vmem_shared>> -> memref<128x128xf32, #tpu.memory_space<vmem_shared>>
      tpu.wait_dma2 semaphore(%run_scoped3A : memref<!tpu.dma_semaphore, #tpu.memory_space<semaphore_mem>>) src(%arg11 : memref<128x128xf32, #tpu.memory_space<vmem>>) dst(%dma_wait3A_53 : memref<128x128xf32, #tpu.memory_space<vmem_shared>>)
      tpu.yield
    }) : () -> ()
    %mul3A_19 = arith.constant 640 : i32
    %mul3A_20 = arith.muli %arg1, %mul3A_19 : i32
    %add3A_21 = arith.constant 256 : i32
    %add3A_22 = arith.addi %mul3A_20, %add3A_21 : i32
    "tpu.region"() ({
      %run_scoped3A = tpu.sem_alloc : memref<!tpu.dma_semaphore, #tpu.memory_space<semaphore_mem>>
      %dma_start3A = arith.constant 0 : i32
      %dma_start3A_48 = tpu.memref_slice %arg13[%add3A_22, %dma_start3A] : memref<10240x128xf32, #tpu.memory_space<vmem_shared>> -> memref<128x128xf32, #tpu.memory_space<vmem_shared>>
      %dma_start3A_49 = arith.constant 0 : i32
      %dma_start3A_50 = tpu.memref_slice %arg13[%add3A_22, %dma_start3A_49] : memref<10240x128xf32, #tpu.memory_space<vmem_shared>> -> memref<128x128xf32, #tpu.memory_space<vmem_shared>>
      tpu.enqueue_dma source(%arg11 : memref<128x128xf32, #tpu.memory_space<vmem>>) target(%dma_start3A_50 : memref<128x128xf32, #tpu.memory_space<vmem_shared>>) target_semaphore(%run_scoped3A : memref<!tpu.dma_semaphore, #tpu.memory_space<semaphore_mem>>)
      %dma_wait3A = arith.constant 0 : i32
      %dma_wait3A_51 = tpu.memref_slice %arg13[%add3A_22, %dma_wait3A] : memref<10240x128xf32, #tpu.memory_space<vmem_shared>> -> memref<128x128xf32, #tpu.memory_space<vmem_shared>>
      %dma_wait3A_52 = arith.constant 0 : i32
      %dma_wait3A_53 = tpu.memref_slice %arg13[%add3A_22, %dma_wait3A_52] : memref<10240x128xf32, #tpu.memory_space<vmem_shared>> -> memref<128x128xf32, #tpu.memory_space<vmem_shared>>
      tpu.wait_dma2 semaphore(%run_scoped3A : memref<!tpu.dma_semaphore, #tpu.memory_space<semaphore_mem>>) src(%arg11 : memref<128x128xf32, #tpu.memory_space<vmem>>) dst(%dma_wait3A_53 : memref<128x128xf32, #tpu.memory_space<vmem_shared>>)
      tpu.yield
    }) : () -> ()
    %mul3A_23 = arith.constant 640 : i32
    %mul3A_24 = arith.muli %arg1, %mul3A_23 : i32
    %add3A_25 = arith.constant 384 : i32
    %add3A_26 = arith.addi %mul3A_24, %add3A_25 : i32
    "tpu.region"() ({
      %run_scoped3A = tpu.sem_alloc : memref<!tpu.dma_semaphore, #tpu.memory_space<semaphore_mem>>
      %dma_start3A = arith.constant 0 : i32
      %dma_start3A_48 = tpu.memref_slice %arg13[%add3A_26, %dma_start3A] : memref<10240x128xf32, #tpu.memory_space<vmem_shared>> -> memref<128x128xf32, #tpu.memory_space<vmem_shared>>
      %dma_start3A_49 = arith.constant 0 : i32
      %dma_start3A_50 = tpu.memref_slice %arg13[%add3A_26, %dma_start3A_49] : memref<10240x128xf32, #tpu.memory_space<vmem_shared>> -> memref<128x128xf32, #tpu.memory_space<vmem_shared>>
      tpu.enqueue_dma source(%arg11 : memref<128x128xf32, #tpu.memory_space<vmem>>) target(%dma_start3A_50 : memref<128x128xf32, #tpu.memory_space<vmem_shared>>) target_semaphore(%run_scoped3A : memref<!tpu.dma_semaphore, #tpu.memory_space<semaphore_mem>>)
      %dma_wait3A = arith.constant 0 : i32
      %dma_wait3A_51 = tpu.memref_slice %arg13[%add3A_26, %dma_wait3A] : memref<10240x128xf32, #tpu.memory_space<vmem_shared>> -> memref<128x128xf32, #tpu.memory_space<vmem_shared>>
      %dma_wait3A_52 = arith.constant 0 : i32
      %dma_wait3A_53 = tpu.memref_slice %arg13[%add3A_26, %dma_wait3A_52] : memref<10240x128xf32, #tpu.memory_space<vmem_shared>> -> memref<128x128xf32, #tpu.memory_space<vmem_shared>>
      tpu.wait_dma2 semaphore(%run_scoped3A : memref<!tpu.dma_semaphore, #tpu.memory_space<semaphore_mem>>) src(%arg11 : memref<128x128xf32, #tpu.memory_space<vmem>>) dst(%dma_wait3A_53 : memref<128x128xf32, #tpu.memory_space<vmem_shared>>)
      tpu.yield
    }) : () -> ()
    %mul3A_27 = arith.constant 640 : i32
    %mul3A_28 = arith.muli %arg1, %mul3A_27 : i32
    %add3A_29 = arith.constant 512 : i32
    %add3A_30 = arith.addi %mul3A_28, %add3A_29 : i32
    "tpu.region"() ({
      %run_scoped3A = tpu.sem_alloc : memref<!tpu.dma_semaphore, #tpu.memory_space<semaphore_mem>>
      %dma_start3A = arith.constant 0 : i32
      %dma_start3A_48 = tpu.memref_slice %arg13[%add3A_30, %dma_start3A] : memref<10240x128xf32, #tpu.memory_space<vmem_shared>> -> memref<128x128xf32, #tpu.memory_space<vmem_shared>>
      %dma_start3A_49 = arith.constant 0 : i32
      %dma_start3A_50 = tpu.memref_slice %arg13[%add3A_30, %dma_start3A_49] : memref<10240x128xf32, #tpu.memory_space<vmem_shared>> -> memref<128x128xf32, #tpu.memory_space<vmem_shared>>
      tpu.enqueue_dma source(%arg11 : memref<128x128xf32, #tpu.memory_space<vmem>>) target(%dma_start3A_50 : memref<128x128xf32, #tpu.memory_space<vmem_shared>>) target_semaphore(%run_scoped3A : memref<!tpu.dma_semaphore, #tpu.memory_space<semaphore_mem>>)
      %dma_wait3A = arith.constant 0 : i32
      %dma_wait3A_51 = tpu.memref_slice %arg13[%add3A_30, %dma_wait3A] : memref<10240x128xf32, #tpu.memory_space<vmem_shared>> -> memref<128x128xf32, #tpu.memory_space<vmem_shared>>
      %dma_wait3A_52 = arith.constant 0 : i32
      %dma_wait3A_53 = tpu.memref_slice %arg13[%add3A_30, %dma_wait3A_52] : memref<10240x128xf32, #tpu.memory_space<vmem_shared>> -> memref<128x128xf32, #tpu.memory_space<vmem_shared>>
      tpu.wait_dma2 semaphore(%run_scoped3A : memref<!tpu.dma_semaphore, #tpu.memory_space<semaphore_mem>>) src(%arg11 : memref<128x128xf32, #tpu.memory_space<vmem>>) dst(%dma_wait3A_53 : memref<128x128xf32, #tpu.memory_space<vmem_shared>>)
      tpu.yield
    }) : () -> ()
    "tpu.region"() ({
      %run_scoped3A = tpu.sem_alloc : memref<!tpu.dma_semaphore, #tpu.memory_space<semaphore_mem>>
      %dma_start3A = tpu.memref_slice %arg3[%mul3A_10] : memref<327680xi32, #tpu.memory_space<hbm>> -> memref<128xi32, #tpu.memory_space<hbm>>
      %dma_start3A_48 = tpu.memref_slice %arg3[%mul3A_10] : memref<327680xi32, #tpu.memory_space<hbm>> -> memref<128xi32, #tpu.memory_space<hbm>>
      tpu.enqueue_dma source(%dma_start3A_48 : memref<128xi32, #tpu.memory_space<hbm>>) target(%arg7 : memref<128xi32, #tpu.memory_space<vmem>>) target_semaphore(%run_scoped3A : memref<!tpu.dma_semaphore, #tpu.memory_space<semaphore_mem>>)
      %dma_wait3A = tpu.memref_slice %arg3[%mul3A_10] : memref<327680xi32, #tpu.memory_space<hbm>> -> memref<128xi32, #tpu.memory_space<hbm>>
      %dma_wait3A_49 = tpu.memref_slice %arg3[%mul3A_10] : memref<327680xi32, #tpu.memory_space<hbm>> -> memref<128xi32, #tpu.memory_space<hbm>>
      tpu.wait_dma2 semaphore(%run_scoped3A : memref<!tpu.dma_semaphore, #tpu.memory_space<semaphore_mem>>) src(%dma_wait3A_49 : memref<128xi32, #tpu.memory_space<hbm>>) dst(%arg7 : memref<128xi32, #tpu.memory_space<vmem>>)
      tpu.yield
    }) : () -> ()
    "tpu.region"() ({
      %run_scoped3A = tpu.sem_alloc : memref<!tpu.dma_semaphore, #tpu.memory_space<semaphore_mem>>
      %dma_start3A = tpu.memref_slice %arg4[%mul3A_10] : memref<327680xi32, #tpu.memory_space<hbm>> -> memref<128xi32, #tpu.memory_space<hbm>>
      %dma_start3A_48 = tpu.memref_slice %arg4[%mul3A_10] : memref<327680xi32, #tpu.memory_space<hbm>> -> memref<128xi32, #tpu.memory_space<hbm>>
      tpu.enqueue_dma source(%dma_start3A_48 : memref<128xi32, #tpu.memory_space<hbm>>) target(%arg8 : memref<128xi32, #tpu.memory_space<vmem>>) target_semaphore(%run_scoped3A : memref<!tpu.dma_semaphore, #tpu.memory_space<semaphore_mem>>)
      %dma_wait3A = tpu.memref_slice %arg4[%mul3A_10] : memref<327680xi32, #tpu.memory_space<hbm>> -> memref<128xi32, #tpu.memory_space<hbm>>
      %dma_wait3A_49 = tpu.memref_slice %arg4[%mul3A_10] : memref<327680xi32, #tpu.memory_space<hbm>> -> memref<128xi32, #tpu.memory_space<hbm>>
      tpu.wait_dma2 semaphore(%run_scoped3A : memref<!tpu.dma_semaphore, #tpu.memory_space<semaphore_mem>>) src(%dma_wait3A_49 : memref<128xi32, #tpu.memory_space<hbm>>) dst(%arg8 : memref<128xi32, #tpu.memory_space<vmem>>)
      tpu.yield
    }) : () -> ()
    %barrier3A = arith.constant 0 : index
    tpu.barrier barrier_id(%barrier3A)
    %while3A = arith.constant 0 : i32
    %while3A_31 = arith.constant 0 : i32
    %while3A_32 = arith.subi %select_n3A, %while3A_31 : i32
    %while3A_33 = arith.addi %while3A_31, %while3A_32 : i32
    %while3A_34 = arith.constant 1 : i32
    %while3A_35 = arith.divsi %while3A_32, %while3A_34 : i32
    %while3A_36 = arith.muli %while3A_35, %while3A_34 : i32
    %while3A_37 = arith.addi %while3A_31, %while3A_36 : i32
    %while3A_38 = arith.constant 1 : i32
    scf.for %while3A_48 = %while3A_31 to %while3A_37 step %while3A_38  : i32 {
      %mul3A_49 = arith.constant 128 : i32
      %mul3A_50 = arith.muli %while3A_48, %mul3A_49 : i32
      %add3A_51 = arith.addi %mul3A_10, %mul3A_50 : i32
      "tpu.region"() ({
        %run_scoped3A = tpu.sem_alloc : memref<!tpu.dma_semaphore, #tpu.memory_space<semaphore_mem>>
        %dma_start3A_56 = tpu.memref_slice %arg3[%add3A_51] : memref<327680xi32, #tpu.memory_space<hbm>> -> memref<128xi32, #tpu.memory_space<hbm>>
        %dma_start3A_57 = tpu.memref_slice %arg3[%add3A_51] : memref<327680xi32, #tpu.memory_space<hbm>> -> memref<128xi32, #tpu.memory_space<hbm>>
        tpu.enqueue_dma source(%dma_start3A_57 : memref<128xi32, #tpu.memory_space<hbm>>) target(%arg7 : memref<128xi32, #tpu.memory_space<vmem>>) target_semaphore(%run_scoped3A : memref<!tpu.dma_semaphore, #tpu.memory_space<semaphore_mem>>)
        %dma_wait3A_58 = tpu.memref_slice %arg3[%add3A_51] : memref<327680xi32, #tpu.memory_space<hbm>> -> memref<128xi32, #tpu.memory_space<hbm>>
        %dma_wait3A_59 = tpu.memref_slice %arg3[%add3A_51] : memref<327680xi32, #tpu.memory_space<hbm>> -> memref<128xi32, #tpu.memory_space<hbm>>
        tpu.wait_dma2 semaphore(%run_scoped3A : memref<!tpu.dma_semaphore, #tpu.memory_space<semaphore_mem>>) src(%dma_wait3A_59 : memref<128xi32, #tpu.memory_space<hbm>>) dst(%arg7 : memref<128xi32, #tpu.memory_space<vmem>>)
        tpu.yield
      }) : () -> ()
      "tpu.region"() ({
        %run_scoped3A = tpu.sem_alloc : memref<!tpu.dma_semaphore, #tpu.memory_space<semaphore_mem>>
        %dma_start3A_56 = tpu.memref_slice %arg4[%add3A_51] : memref<327680xi32, #tpu.memory_space<hbm>> -> memref<128xi32, #tpu.memory_space<hbm>>
        %dma_start3A_57 = tpu.memref_slice %arg4[%add3A_51] : memref<327680xi32, #tpu.memory_space<hbm>> -> memref<128xi32, #tpu.memory_space<hbm>>
        tpu.enqueue_dma source(%dma_start3A_57 : memref<128xi32, #tpu.memory_space<hbm>>) target(%arg8 : memref<128xi32, #tpu.memory_space<vmem>>) target_semaphore(%run_scoped3A : memref<!tpu.dma_semaphore, #tpu.memory_space<semaphore_mem>>)
        %dma_wait3A_58 = tpu.memref_slice %arg4[%add3A_51] : memref<327680xi32, #tpu.memory_space<hbm>> -> memref<128xi32, #tpu.memory_space<hbm>>
        %dma_wait3A_59 = tpu.memref_slice %arg4[%add3A_51] : memref<327680xi32, #tpu.memory_space<hbm>> -> memref<128xi32, #tpu.memory_space<hbm>>
        tpu.wait_dma2 semaphore(%run_scoped3A : memref<!tpu.dma_semaphore, #tpu.memory_space<semaphore_mem>>) src(%dma_wait3A_59 : memref<128xi32, #tpu.memory_space<hbm>>) dst(%arg8 : memref<128xi32, #tpu.memory_space<vmem>>)
        tpu.yield
      }) : () -> ()
      %dma_start3A = arith.constant 0 : i32
      %dma_start3A_52 = arith.constant 0 : i32
      %dma_start3A_53 = tpu.memref_slice %arg2[%dma_start3A, %dma_start3A_52] : memref<10240x128xf32, #tpu.memory_space<hbm>> -> memref<10240x128xf32, #tpu.memory_space<hbm>>
      tpu.enqueue_indirect_dma source(%dma_start3A_53 : memref<10240x128xf32, #tpu.memory_space<hbm>>) target(%arg11 : memref<128x128xf32, #tpu.memory_space<vmem>>) offsets(%arg7 : memref<128xi32, #tpu.memory_space<vmem>>) semaphore(%arg16 : memref<!tpu.dma_semaphore, #tpu.memory_space<semaphore_mem>>)
      %dma_wait3A = arith.constant 0 : i32
      %dma_wait3A_54 = arith.constant 0 : i32
      %dma_wait3A_55 = tpu.memref_slice %arg2[%dma_wait3A, %dma_wait3A_54] : memref<10240x128xf32, #tpu.memory_space<hbm>> -> memref<10240x128xf32, #tpu.memory_space<hbm>>
      tpu.wait_indirect_dma semaphore(%arg16 : memref<!tpu.dma_semaphore, #tpu.memory_space<semaphore_mem>>) src(%dma_wait3A_55 : memref<10240x128xf32, #tpu.memory_space<hbm>>) dst(%arg11 : memref<128x128xf32, #tpu.memory_space<vmem>>)
      "tpu.region"() ({
        %run_scoped3A = tpu.sem_alloc : memref<!tpu.dma_semaphore, #tpu.memory_space<semaphore_mem>>
        %dma_start3A_56 = arith.constant 0 : i32
        %dma_start3A_57 = arith.constant 0 : i32
        %dma_start3A_58 = tpu.memref_slice %arg13[%dma_start3A_56, %dma_start3A_57] : memref<10240x128xf32, #tpu.memory_space<vmem_shared>> -> memref<10240x128xf32, #tpu.memory_space<vmem_shared>>
        tpu.enqueue_indirect_dma source(%arg11 : memref<128x128xf32, #tpu.memory_space<vmem>>) target(%dma_start3A_58 : memref<10240x128xf32, #tpu.memory_space<vmem_shared>>) offsets(%arg8 : memref<128xi32, #tpu.memory_space<vmem>>) semaphore(%run_scoped3A : memref<!tpu.dma_semaphore, #tpu.memory_space<semaphore_mem>>) {add = true}
        %dma_wait3A_59 = arith.constant 0 : i32
        %dma_wait3A_60 = arith.constant 0 : i32
        %dma_wait3A_61 = tpu.memref_slice %arg13[%dma_wait3A_59, %dma_wait3A_60] : memref<10240x128xf32, #tpu.memory_space<vmem_shared>> -> memref<10240x128xf32, #tpu.memory_space<vmem_shared>>
        tpu.wait_indirect_dma semaphore(%run_scoped3A : memref<!tpu.dma_semaphore, #tpu.memory_space<semaphore_mem>>) src(%arg11 : memref<128x128xf32, #tpu.memory_space<vmem>>) dst(%dma_wait3A_61 : memref<10240x128xf32, #tpu.memory_space<vmem_shared>>)
        tpu.yield
      }) : () -> ()
    }
    %while3A_39 = arith.constant 1 : i32
    scf.for %while3A_48 = %while3A_37 to %while3A_33 step %while3A_39  : i32 {
      %mul3A_49 = arith.constant 128 : i32
      %mul3A_50 = arith.muli %while3A_48, %mul3A_49 : i32
      %add3A_51 = arith.addi %mul3A_10, %mul3A_50 : i32
      "tpu.region"() ({
        %run_scoped3A = tpu.sem_alloc : memref<!tpu.dma_semaphore, #tpu.memory_space<semaphore_mem>>
        %dma_start3A_56 = tpu.memref_slice %arg3[%add3A_51] : memref<327680xi32, #tpu.memory_space<hbm>> -> memref<128xi32, #tpu.memory_space<hbm>>
        %dma_start3A_57 = tpu.memref_slice %arg3[%add3A_51] : memref<327680xi32, #tpu.memory_space<hbm>> -> memref<128xi32, #tpu.memory_space<hbm>>
        tpu.enqueue_dma source(%dma_start3A_57 : memref<128xi32, #tpu.memory_space<hbm>>) target(%arg7 : memref<128xi32, #tpu.memory_space<vmem>>) target_semaphore(%run_scoped3A : memref<!tpu.dma_semaphore, #tpu.memory_space<semaphore_mem>>)
        %dma_wait3A_58 = tpu.memref_slice %arg3[%add3A_51] : memref<327680xi32, #tpu.memory_space<hbm>> -> memref<128xi32, #tpu.memory_space<hbm>>
        %dma_wait3A_59 = tpu.memref_slice %arg3[%add3A_51] : memref<327680xi32, #tpu.memory_space<hbm>> -> memref<128xi32, #tpu.memory_space<hbm>>
        tpu.wait_dma2 semaphore(%run_scoped3A : memref<!tpu.dma_semaphore, #tpu.memory_space<semaphore_mem>>) src(%dma_wait3A_59 : memref<128xi32, #tpu.memory_space<hbm>>) dst(%arg7 : memref<128xi32, #tpu.memory_space<vmem>>)
        tpu.yield
      }) : () -> ()
      "tpu.region"() ({
        %run_scoped3A = tpu.sem_alloc : memref<!tpu.dma_semaphore, #tpu.memory_space<semaphore_mem>>
        %dma_start3A_56 = tpu.memref_slice %arg4[%add3A_51] : memref<327680xi32, #tpu.memory_space<hbm>> -> memref<128xi32, #tpu.memory_space<hbm>>
        %dma_start3A_57 = tpu.memref_slice %arg4[%add3A_51] : memref<327680xi32, #tpu.memory_space<hbm>> -> memref<128xi32, #tpu.memory_space<hbm>>
        tpu.enqueue_dma source(%dma_start3A_57 : memref<128xi32, #tpu.memory_space<hbm>>) target(%arg8 : memref<128xi32, #tpu.memory_space<vmem>>) target_semaphore(%run_scoped3A : memref<!tpu.dma_semaphore, #tpu.memory_space<semaphore_mem>>)
        %dma_wait3A_58 = tpu.memref_slice %arg4[%add3A_51] : memref<327680xi32, #tpu.memory_space<hbm>> -> memref<128xi32, #tpu.memory_space<hbm>>
        %dma_wait3A_59 = tpu.memref_slice %arg4[%add3A_51] : memref<327680xi32, #tpu.memory_space<hbm>> -> memref<128xi32, #tpu.memory_space<hbm>>
        tpu.wait_dma2 semaphore(%run_scoped3A : memref<!tpu.dma_semaphore, #tpu.memory_space<semaphore_mem>>) src(%dma_wait3A_59 : memref<128xi32, #tpu.memory_space<hbm>>) dst(%arg8 : memref<128xi32, #tpu.memory_space<vmem>>)
        tpu.yield
      }) : () -> ()
      %dma_start3A = arith.constant 0 : i32
      %dma_start3A_52 = arith.constant 0 : i32
      %dma_start3A_53 = tpu.memref_slice %arg2[%dma_start3A, %dma_start3A_52] : memref<10240x128xf32, #tpu.memory_space<hbm>> -> memref<10240x128xf32, #tpu.memory_space<hbm>>
      tpu.enqueue_indirect_dma source(%dma_start3A_53 : memref<10240x128xf32, #tpu.memory_space<hbm>>) target(%arg11 : memref<128x128xf32, #tpu.memory_space<vmem>>) offsets(%arg7 : memref<128xi32, #tpu.memory_space<vmem>>) semaphore(%arg16 : memref<!tpu.dma_semaphore, #tpu.memory_space<semaphore_mem>>)
      %dma_wait3A = arith.constant 0 : i32
      %dma_wait3A_54 = arith.constant 0 : i32
      %dma_wait3A_55 = tpu.memref_slice %arg2[%dma_wait3A, %dma_wait3A_54] : memref<10240x128xf32, #tpu.memory_space<hbm>> -> memref<10240x128xf32, #tpu.memory_space<hbm>>
      tpu.wait_indirect_dma semaphore(%arg16 : memref<!tpu.dma_semaphore, #tpu.memory_space<semaphore_mem>>) src(%dma_wait3A_55 : memref<10240x128xf32, #tpu.memory_space<hbm>>) dst(%arg11 : memref<128x128xf32, #tpu.memory_space<vmem>>)
      "tpu.region"() ({
        %run_scoped3A = tpu.sem_alloc : memref<!tpu.dma_semaphore, #tpu.memory_space<semaphore_mem>>
        %dma_start3A_56 = arith.constant 0 : i32
        %dma_start3A_57 = arith.constant 0 : i32
        %dma_start3A_58 = tpu.memref_slice %arg13[%dma_start3A_56, %dma_start3A_57] : memref<10240x128xf32, #tpu.memory_space<vmem_shared>> -> memref<10240x128xf32, #tpu.memory_space<vmem_shared>>
        tpu.enqueue_indirect_dma source(%arg11 : memref<128x128xf32, #tpu.memory_space<vmem>>) target(%dma_start3A_58 : memref<10240x128xf32, #tpu.memory_space<vmem_shared>>) offsets(%arg8 : memref<128xi32, #tpu.memory_space<vmem>>) semaphore(%run_scoped3A : memref<!tpu.dma_semaphore, #tpu.memory_space<semaphore_mem>>) {add = true}
        %dma_wait3A_59 = arith.constant 0 : i32
        %dma_wait3A_60 = arith.constant 0 : i32
        %dma_wait3A_61 = tpu.memref_slice %arg13[%dma_wait3A_59, %dma_wait3A_60] : memref<10240x128xf32, #tpu.memory_space<vmem_shared>> -> memref<10240x128xf32, #tpu.memory_space<vmem_shared>>
        tpu.wait_indirect_dma semaphore(%run_scoped3A : memref<!tpu.dma_semaphore, #tpu.memory_space<semaphore_mem>>) src(%arg11 : memref<128x128xf32, #tpu.memory_space<vmem>>) dst(%dma_wait3A_61 : memref<10240x128xf32, #tpu.memory_space<vmem_shared>>)
        tpu.yield
      }) : () -> ()
    }
    %barrier3A_40 = arith.constant 0 : index
    tpu.barrier barrier_id(%barrier3A_40)
    %mul3A_41 = arith.constant 640 : i32
    %mul3A_42 = arith.muli %arg1, %mul3A_41 : i32
    %mul3A_43 = arith.constant 10240 : i32
    %mul3A_44 = arith.muli %arg0, %mul3A_43 : i32
    %mul3A_45 = arith.constant 640 : i32
    %mul3A_46 = arith.muli %arg1, %mul3A_45 : i32
    %add3A_47 = arith.addi %mul3A_44, %mul3A_46 : i32
    "tpu.region"() ({
      %run_scoped3A = tpu.sem_alloc : memref<!tpu.dma_semaphore, #tpu.memory_space<semaphore_mem>>
      %dma_start3A = arith.constant 0 : i32
      %dma_start3A_48 = tpu.memref_slice %arg6[%add3A_47, %dma_start3A] : memref<20480x128xf32, #tpu.memory_space<hbm>> -> memref<640x128xf32, #tpu.memory_space<hbm>>
      %dma_start3A_49 = arith.constant 0 : i32
      %dma_start3A_50 = tpu.memref_slice %arg13[%mul3A_42, %dma_start3A_49] : memref<10240x128xf32, #tpu.memory_space<vmem_shared>> -> memref<640x128xf32, #tpu.memory_space<vmem_shared>>
      tpu.enqueue_dma source(%dma_start3A_50 : memref<640x128xf32, #tpu.memory_space<vmem_shared>>) target(%dma_start3A_48 : memref<640x128xf32, #tpu.memory_space<hbm>>) target_semaphore(%run_scoped3A : memref<!tpu.dma_semaphore, #tpu.memory_space<semaphore_mem>>)
      %dma_wait3A = arith.constant 0 : i32
      %dma_wait3A_51 = tpu.memref_slice %arg6[%add3A_47, %dma_wait3A] : memref<20480x128xf32, #tpu.memory_space<hbm>> -> memref<640x128xf32, #tpu.memory_space<hbm>>
      %dma_wait3A_52 = arith.constant 0 : i32
      %dma_wait3A_53 = tpu.memref_slice %arg13[%mul3A_42, %dma_wait3A_52] : memref<10240x128xf32, #tpu.memory_space<vmem_shared>> -> memref<640x128xf32, #tpu.memory_space<vmem_shared>>
      tpu.wait_dma2 semaphore(%run_scoped3A : memref<!tpu.dma_semaphore, #tpu.memory_space<semaphore_mem>>) src(%dma_wait3A_53 : memref<640x128xf32, #tpu.memory_space<vmem_shared>>) dst(%dma_wait3A_51 : memref<640x128xf32, #tpu.memory_space<hbm>>)
      tpu.yield
    }) : () -> ()
    return
  }
}

#map = affine_map<(d0, d1) -> (0, 0)>
#map1 = affine_map<(d0, d1) -> (0)>
module attributes {stable_mosaic.version = 14 : i64} {
  func.func @_edge_pass(%arg0: i32, %arg1: i32, %arg2: memref<10240x128xf32, #tpu.memory_space<hbm>>, %arg3: memref<327680xi32, #tpu.memory_space<hbm>>, %arg4: memref<327680xi32, #tpu.memory_space<hbm>>, %arg5: memref<128x128xf32, #tpu.memory_space<hbm>>, %arg6: memref<20480x128xf32, #tpu.memory_space<hbm>>, %arg7: memref<128xi32, #tpu.memory_space<vmem>>, %arg8: memref<128xi32, #tpu.memory_space<vmem>>, %arg9: memref<128xi32, #tpu.memory_space<vmem>>, %arg10: memref<128xi32, #tpu.memory_space<vmem>>, %arg11: memref<128x128xf32, #tpu.memory_space<vmem>>, %arg12: memref<128x128xf32, #tpu.memory_space<vmem>>, %arg13: memref<10240x128xf32, #tpu.memory_space<vmem_shared>>, %arg14: memref<!tpu.dma_semaphore, #tpu.memory_space<semaphore_mem>>, %arg15: memref<!tpu.dma_semaphore, #tpu.memory_space<semaphore_mem>>, %arg16: memref<!tpu.dma_semaphore, #tpu.memory_space<semaphore_mem>>, %arg17: memref<!tpu.dma_semaphore, #tpu.memory_space<semaphore_mem>>) attributes {dimension_semantics = [#tpu.dimension_semantics<core_parallel>, #tpu.dimension_semantics<subcore_parallel>], iteration_bounds = array<i64: 2, 16>, scalar_prefetch = 0 : i64, scratch_operands = 11 : i64, tpu.core_type = #tpu.core_type<sc_vector_subcore>, window_params = [{transform_indices = #map}, {transform_indices = #map1}, {transform_indices = #map1}, {transform_indices = #map}, {transform_indices = #map}]} {
    %eq3A = arith.constant 0 : i32
    %eq3A_0 = arith.cmpi eq, %arg0, %eq3A : i32
    %jit3A = arith.constant 80 : i32
    %jit3A_1 = arith.constant 80 : i32
    %select_n3A = arith.select %eq3A_0, %jit3A, %jit3A_1 : i32
    %eq3A_2 = arith.constant 0 : i32
    %eq3A_3 = arith.cmpi eq, %arg0, %eq3A_2 : i32
    %mul3A = arith.constant 80 : i32
    %mul3A_4 = arith.muli %arg1, %mul3A : i32
    %mul3A_5 = arith.constant 80 : i32
    %mul3A_6 = arith.muli %arg1, %mul3A_5 : i32
    %add3A = arith.constant 1280 : i32
    %add3A_7 = arith.addi %add3A, %mul3A_6 : i32
    %select_n3A_8 = arith.select %eq3A_3, %mul3A_4, %add3A_7 : i32
    %mul3A_9 = arith.constant 128 : i32
    %mul3A_10 = arith.muli %select_n3A_8, %mul3A_9 : i32
    "tpu.region"() ({
      %run_scoped3A = tpu.sem_alloc : memref<!tpu.dma_semaphore, #tpu.memory_space<semaphore_mem>>
      tpu.enqueue_dma source(%arg5 : memref<128x128xf32, #tpu.memory_space<hbm>>) target(%arg11 : memref<128x128xf32, #tpu.memory_space<vmem>>) target_semaphore(%run_scoped3A : memref<!tpu.dma_semaphore, #tpu.memory_space<semaphore_mem>>)
      tpu.wait_dma2 semaphore(%run_scoped3A : memref<!tpu.dma_semaphore, #tpu.memory_space<semaphore_mem>>) src(%arg5 : memref<128x128xf32, #tpu.memory_space<hbm>>) dst(%arg11 : memref<128x128xf32, #tpu.memory_space<vmem>>)
      tpu.yield
    }) : () -> ()
    %mul3A_11 = arith.constant 640 : i32
    %mul3A_12 = arith.muli %arg1, %mul3A_11 : i32
    %add3A_13 = arith.constant 0 : i32
    %add3A_14 = arith.addi %mul3A_12, %add3A_13 : i32
    "tpu.region"() ({
      %run_scoped3A = tpu.sem_alloc : memref<!tpu.dma_semaphore, #tpu.memory_space<semaphore_mem>>
      %dma_start3A = arith.constant 0 : i32
      %dma_start3A_48 = tpu.memref_slice %arg13[%add3A_14, %dma_start3A] : memref<10240x128xf32, #tpu.memory_space<vmem_shared>> -> memref<128x128xf32, #tpu.memory_space<vmem_shared>>
      %dma_start3A_49 = arith.constant 0 : i32
      %dma_start3A_50 = tpu.memref_slice %arg13[%add3A_14, %dma_start3A_49] : memref<10240x128xf32, #tpu.memory_space<vmem_shared>> -> memref<128x128xf32, #tpu.memory_space<vmem_shared>>
      tpu.enqueue_dma source(%arg11 : memref<128x128xf32, #tpu.memory_space<vmem>>) target(%dma_start3A_50 : memref<128x128xf32, #tpu.memory_space<vmem_shared>>) target_semaphore(%run_scoped3A : memref<!tpu.dma_semaphore, #tpu.memory_space<semaphore_mem>>)
      %dma_wait3A = arith.constant 0 : i32
      %dma_wait3A_51 = tpu.memref_slice %arg13[%add3A_14, %dma_wait3A] : memref<10240x128xf32, #tpu.memory_space<vmem_shared>> -> memref<128x128xf32, #tpu.memory_space<vmem_shared>>
      %dma_wait3A_52 = arith.constant 0 : i32
      %dma_wait3A_53 = tpu.memref_slice %arg13[%add3A_14, %dma_wait3A_52] : memref<10240x128xf32, #tpu.memory_space<vmem_shared>> -> memref<128x128xf32, #tpu.memory_space<vmem_shared>>
      tpu.wait_dma2 semaphore(%run_scoped3A : memref<!tpu.dma_semaphore, #tpu.memory_space<semaphore_mem>>) src(%arg11 : memref<128x128xf32, #tpu.memory_space<vmem>>) dst(%dma_wait3A_53 : memref<128x128xf32, #tpu.memory_space<vmem_shared>>)
      tpu.yield
    }) : () -> ()
    %mul3A_15 = arith.constant 640 : i32
    %mul3A_16 = arith.muli %arg1, %mul3A_15 : i32
    %add3A_17 = arith.constant 128 : i32
    %add3A_18 = arith.addi %mul3A_16, %add3A_17 : i32
    "tpu.region"() ({
      %run_scoped3A = tpu.sem_alloc : memref<!tpu.dma_semaphore, #tpu.memory_space<semaphore_mem>>
      %dma_start3A = arith.constant 0 : i32
      %dma_start3A_48 = tpu.memref_slice %arg13[%add3A_18, %dma_start3A] : memref<10240x128xf32, #tpu.memory_space<vmem_shared>> -> memref<128x128xf32, #tpu.memory_space<vmem_shared>>
      %dma_start3A_49 = arith.constant 0 : i32
      %dma_start3A_50 = tpu.memref_slice %arg13[%add3A_18, %dma_start3A_49] : memref<10240x128xf32, #tpu.memory_space<vmem_shared>> -> memref<128x128xf32, #tpu.memory_space<vmem_shared>>
      tpu.enqueue_dma source(%arg11 : memref<128x128xf32, #tpu.memory_space<vmem>>) target(%dma_start3A_50 : memref<128x128xf32, #tpu.memory_space<vmem_shared>>) target_semaphore(%run_scoped3A : memref<!tpu.dma_semaphore, #tpu.memory_space<semaphore_mem>>)
      %dma_wait3A = arith.constant 0 : i32
      %dma_wait3A_51 = tpu.memref_slice %arg13[%add3A_18, %dma_wait3A] : memref<10240x128xf32, #tpu.memory_space<vmem_shared>> -> memref<128x128xf32, #tpu.memory_space<vmem_shared>>
      %dma_wait3A_52 = arith.constant 0 : i32
      %dma_wait3A_53 = tpu.memref_slice %arg13[%add3A_18, %dma_wait3A_52] : memref<10240x128xf32, #tpu.memory_space<vmem_shared>> -> memref<128x128xf32, #tpu.memory_space<vmem_shared>>
      tpu.wait_dma2 semaphore(%run_scoped3A : memref<!tpu.dma_semaphore, #tpu.memory_space<semaphore_mem>>) src(%arg11 : memref<128x128xf32, #tpu.memory_space<vmem>>) dst(%dma_wait3A_53 : memref<128x128xf32, #tpu.memory_space<vmem_shared>>)
      tpu.yield
    }) : () -> ()
    %mul3A_19 = arith.constant 640 : i32
    %mul3A_20 = arith.muli %arg1, %mul3A_19 : i32
    %add3A_21 = arith.constant 256 : i32
    %add3A_22 = arith.addi %mul3A_20, %add3A_21 : i32
    "tpu.region"() ({
      %run_scoped3A = tpu.sem_alloc : memref<!tpu.dma_semaphore, #tpu.memory_space<semaphore_mem>>
      %dma_start3A = arith.constant 0 : i32
      %dma_start3A_48 = tpu.memref_slice %arg13[%add3A_22, %dma_start3A] : memref<10240x128xf32, #tpu.memory_space<vmem_shared>> -> memref<128x128xf32, #tpu.memory_space<vmem_shared>>
      %dma_start3A_49 = arith.constant 0 : i32
      %dma_start3A_50 = tpu.memref_slice %arg13[%add3A_22, %dma_start3A_49] : memref<10240x128xf32, #tpu.memory_space<vmem_shared>> -> memref<128x128xf32, #tpu.memory_space<vmem_shared>>
      tpu.enqueue_dma source(%arg11 : memref<128x128xf32, #tpu.memory_space<vmem>>) target(%dma_start3A_50 : memref<128x128xf32, #tpu.memory_space<vmem_shared>>) target_semaphore(%run_scoped3A : memref<!tpu.dma_semaphore, #tpu.memory_space<semaphore_mem>>)
      %dma_wait3A = arith.constant 0 : i32
      %dma_wait3A_51 = tpu.memref_slice %arg13[%add3A_22, %dma_wait3A] : memref<10240x128xf32, #tpu.memory_space<vmem_shared>> -> memref<128x128xf32, #tpu.memory_space<vmem_shared>>
      %dma_wait3A_52 = arith.constant 0 : i32
      %dma_wait3A_53 = tpu.memref_slice %arg13[%add3A_22, %dma_wait3A_52] : memref<10240x128xf32, #tpu.memory_space<vmem_shared>> -> memref<128x128xf32, #tpu.memory_space<vmem_shared>>
      tpu.wait_dma2 semaphore(%run_scoped3A : memref<!tpu.dma_semaphore, #tpu.memory_space<semaphore_mem>>) src(%arg11 : memref<128x128xf32, #tpu.memory_space<vmem>>) dst(%dma_wait3A_53 : memref<128x128xf32, #tpu.memory_space<vmem_shared>>)
      tpu.yield
    }) : () -> ()
    %mul3A_23 = arith.constant 640 : i32
    %mul3A_24 = arith.muli %arg1, %mul3A_23 : i32
    %add3A_25 = arith.constant 384 : i32
    %add3A_26 = arith.addi %mul3A_24, %add3A_25 : i32
    "tpu.region"() ({
      %run_scoped3A = tpu.sem_alloc : memref<!tpu.dma_semaphore, #tpu.memory_space<semaphore_mem>>
      %dma_start3A = arith.constant 0 : i32
      %dma_start3A_48 = tpu.memref_slice %arg13[%add3A_26, %dma_start3A] : memref<10240x128xf32, #tpu.memory_space<vmem_shared>> -> memref<128x128xf32, #tpu.memory_space<vmem_shared>>
      %dma_start3A_49 = arith.constant 0 : i32
      %dma_start3A_50 = tpu.memref_slice %arg13[%add3A_26, %dma_start3A_49] : memref<10240x128xf32, #tpu.memory_space<vmem_shared>> -> memref<128x128xf32, #tpu.memory_space<vmem_shared>>
      tpu.enqueue_dma source(%arg11 : memref<128x128xf32, #tpu.memory_space<vmem>>) target(%dma_start3A_50 : memref<128x128xf32, #tpu.memory_space<vmem_shared>>) target_semaphore(%run_scoped3A : memref<!tpu.dma_semaphore, #tpu.memory_space<semaphore_mem>>)
      %dma_wait3A = arith.constant 0 : i32
      %dma_wait3A_51 = tpu.memref_slice %arg13[%add3A_26, %dma_wait3A] : memref<10240x128xf32, #tpu.memory_space<vmem_shared>> -> memref<128x128xf32, #tpu.memory_space<vmem_shared>>
      %dma_wait3A_52 = arith.constant 0 : i32
      %dma_wait3A_53 = tpu.memref_slice %arg13[%add3A_26, %dma_wait3A_52] : memref<10240x128xf32, #tpu.memory_space<vmem_shared>> -> memref<128x128xf32, #tpu.memory_space<vmem_shared>>
      tpu.wait_dma2 semaphore(%run_scoped3A : memref<!tpu.dma_semaphore, #tpu.memory_space<semaphore_mem>>) src(%arg11 : memref<128x128xf32, #tpu.memory_space<vmem>>) dst(%dma_wait3A_53 : memref<128x128xf32, #tpu.memory_space<vmem_shared>>)
      tpu.yield
    }) : () -> ()
    %mul3A_27 = arith.constant 640 : i32
    %mul3A_28 = arith.muli %arg1, %mul3A_27 : i32
    %add3A_29 = arith.constant 512 : i32
    %add3A_30 = arith.addi %mul3A_28, %add3A_29 : i32
    "tpu.region"() ({
      %run_scoped3A = tpu.sem_alloc : memref<!tpu.dma_semaphore, #tpu.memory_space<semaphore_mem>>
      %dma_start3A = arith.constant 0 : i32
      %dma_start3A_48 = tpu.memref_slice %arg13[%add3A_30, %dma_start3A] : memref<10240x128xf32, #tpu.memory_space<vmem_shared>> -> memref<128x128xf32, #tpu.memory_space<vmem_shared>>
      %dma_start3A_49 = arith.constant 0 : i32
      %dma_start3A_50 = tpu.memref_slice %arg13[%add3A_30, %dma_start3A_49] : memref<10240x128xf32, #tpu.memory_space<vmem_shared>> -> memref<128x128xf32, #tpu.memory_space<vmem_shared>>
      tpu.enqueue_dma source(%arg11 : memref<128x128xf32, #tpu.memory_space<vmem>>) target(%dma_start3A_50 : memref<128x128xf32, #tpu.memory_space<vmem_shared>>) target_semaphore(%run_scoped3A : memref<!tpu.dma_semaphore, #tpu.memory_space<semaphore_mem>>)
      %dma_wait3A = arith.constant 0 : i32
      %dma_wait3A_51 = tpu.memref_slice %arg13[%add3A_30, %dma_wait3A] : memref<10240x128xf32, #tpu.memory_space<vmem_shared>> -> memref<128x128xf32, #tpu.memory_space<vmem_shared>>
      %dma_wait3A_52 = arith.constant 0 : i32
      %dma_wait3A_53 = tpu.memref_slice %arg13[%add3A_30, %dma_wait3A_52] : memref<10240x128xf32, #tpu.memory_space<vmem_shared>> -> memref<128x128xf32, #tpu.memory_space<vmem_shared>>
      tpu.wait_dma2 semaphore(%run_scoped3A : memref<!tpu.dma_semaphore, #tpu.memory_space<semaphore_mem>>) src(%arg11 : memref<128x128xf32, #tpu.memory_space<vmem>>) dst(%dma_wait3A_53 : memref<128x128xf32, #tpu.memory_space<vmem_shared>>)
      tpu.yield
    }) : () -> ()
    "tpu.region"() ({
      %run_scoped3A = tpu.sem_alloc : memref<!tpu.dma_semaphore, #tpu.memory_space<semaphore_mem>>
      %dma_start3A = tpu.memref_slice %arg3[%mul3A_10] : memref<327680xi32, #tpu.memory_space<hbm>> -> memref<128xi32, #tpu.memory_space<hbm>>
      %dma_start3A_48 = tpu.memref_slice %arg3[%mul3A_10] : memref<327680xi32, #tpu.memory_space<hbm>> -> memref<128xi32, #tpu.memory_space<hbm>>
      tpu.enqueue_dma source(%dma_start3A_48 : memref<128xi32, #tpu.memory_space<hbm>>) target(%arg7 : memref<128xi32, #tpu.memory_space<vmem>>) target_semaphore(%run_scoped3A : memref<!tpu.dma_semaphore, #tpu.memory_space<semaphore_mem>>)
      %dma_wait3A = tpu.memref_slice %arg3[%mul3A_10] : memref<327680xi32, #tpu.memory_space<hbm>> -> memref<128xi32, #tpu.memory_space<hbm>>
      %dma_wait3A_49 = tpu.memref_slice %arg3[%mul3A_10] : memref<327680xi32, #tpu.memory_space<hbm>> -> memref<128xi32, #tpu.memory_space<hbm>>
      tpu.wait_dma2 semaphore(%run_scoped3A : memref<!tpu.dma_semaphore, #tpu.memory_space<semaphore_mem>>) src(%dma_wait3A_49 : memref<128xi32, #tpu.memory_space<hbm>>) dst(%arg7 : memref<128xi32, #tpu.memory_space<vmem>>)
      tpu.yield
    }) : () -> ()
    "tpu.region"() ({
      %run_scoped3A = tpu.sem_alloc : memref<!tpu.dma_semaphore, #tpu.memory_space<semaphore_mem>>
      %dma_start3A = tpu.memref_slice %arg4[%mul3A_10] : memref<327680xi32, #tpu.memory_space<hbm>> -> memref<128xi32, #tpu.memory_space<hbm>>
      %dma_start3A_48 = tpu.memref_slice %arg4[%mul3A_10] : memref<327680xi32, #tpu.memory_space<hbm>> -> memref<128xi32, #tpu.memory_space<hbm>>
      tpu.enqueue_dma source(%dma_start3A_48 : memref<128xi32, #tpu.memory_space<hbm>>) target(%arg8 : memref<128xi32, #tpu.memory_space<vmem>>) target_semaphore(%run_scoped3A : memref<!tpu.dma_semaphore, #tpu.memory_space<semaphore_mem>>)
      %dma_wait3A = tpu.memref_slice %arg4[%mul3A_10] : memref<327680xi32, #tpu.memory_space<hbm>> -> memref<128xi32, #tpu.memory_space<hbm>>
      %dma_wait3A_49 = tpu.memref_slice %arg4[%mul3A_10] : memref<327680xi32, #tpu.memory_space<hbm>> -> memref<128xi32, #tpu.memory_space<hbm>>
      tpu.wait_dma2 semaphore(%run_scoped3A : memref<!tpu.dma_semaphore, #tpu.memory_space<semaphore_mem>>) src(%dma_wait3A_49 : memref<128xi32, #tpu.memory_space<hbm>>) dst(%arg8 : memref<128xi32, #tpu.memory_space<vmem>>)
      tpu.yield
    }) : () -> ()
    %barrier3A = arith.constant 0 : index
    tpu.barrier barrier_id(%barrier3A)
    %while3A = arith.constant 0 : i32
    %while3A_31 = arith.constant 0 : i32
    %while3A_32 = arith.subi %select_n3A, %while3A_31 : i32
    %while3A_33 = arith.addi %while3A_31, %while3A_32 : i32
    %while3A_34 = arith.constant 1 : i32
    %while3A_35 = arith.divsi %while3A_32, %while3A_34 : i32
    %while3A_36 = arith.muli %while3A_35, %while3A_34 : i32
    %while3A_37 = arith.addi %while3A_31, %while3A_36 : i32
    %while3A_38 = arith.constant 1 : i32
    scf.for %while3A_48 = %while3A_31 to %while3A_37 step %while3A_38  : i32 {
      %mul3A_49 = arith.constant 128 : i32
      %mul3A_50 = arith.muli %while3A_48, %mul3A_49 : i32
      %add3A_51 = arith.addi %mul3A_10, %mul3A_50 : i32
      "tpu.region"() ({
        %run_scoped3A = tpu.sem_alloc : memref<!tpu.dma_semaphore, #tpu.memory_space<semaphore_mem>>
        %dma_start3A_56 = tpu.memref_slice %arg3[%add3A_51] : memref<327680xi32, #tpu.memory_space<hbm>> -> memref<128xi32, #tpu.memory_space<hbm>>
        %dma_start3A_57 = tpu.memref_slice %arg3[%add3A_51] : memref<327680xi32, #tpu.memory_space<hbm>> -> memref<128xi32, #tpu.memory_space<hbm>>
        tpu.enqueue_dma source(%dma_start3A_57 : memref<128xi32, #tpu.memory_space<hbm>>) target(%arg7 : memref<128xi32, #tpu.memory_space<vmem>>) target_semaphore(%run_scoped3A : memref<!tpu.dma_semaphore, #tpu.memory_space<semaphore_mem>>)
        %dma_wait3A_58 = tpu.memref_slice %arg3[%add3A_51] : memref<327680xi32, #tpu.memory_space<hbm>> -> memref<128xi32, #tpu.memory_space<hbm>>
        %dma_wait3A_59 = tpu.memref_slice %arg3[%add3A_51] : memref<327680xi32, #tpu.memory_space<hbm>> -> memref<128xi32, #tpu.memory_space<hbm>>
        tpu.wait_dma2 semaphore(%run_scoped3A : memref<!tpu.dma_semaphore, #tpu.memory_space<semaphore_mem>>) src(%dma_wait3A_59 : memref<128xi32, #tpu.memory_space<hbm>>) dst(%arg7 : memref<128xi32, #tpu.memory_space<vmem>>)
        tpu.yield
      }) : () -> ()
      "tpu.region"() ({
        %run_scoped3A = tpu.sem_alloc : memref<!tpu.dma_semaphore, #tpu.memory_space<semaphore_mem>>
        %dma_start3A_56 = tpu.memref_slice %arg4[%add3A_51] : memref<327680xi32, #tpu.memory_space<hbm>> -> memref<128xi32, #tpu.memory_space<hbm>>
        %dma_start3A_57 = tpu.memref_slice %arg4[%add3A_51] : memref<327680xi32, #tpu.memory_space<hbm>> -> memref<128xi32, #tpu.memory_space<hbm>>
        tpu.enqueue_dma source(%dma_start3A_57 : memref<128xi32, #tpu.memory_space<hbm>>) target(%arg8 : memref<128xi32, #tpu.memory_space<vmem>>) target_semaphore(%run_scoped3A : memref<!tpu.dma_semaphore, #tpu.memory_space<semaphore_mem>>)
        %dma_wait3A_58 = tpu.memref_slice %arg4[%add3A_51] : memref<327680xi32, #tpu.memory_space<hbm>> -> memref<128xi32, #tpu.memory_space<hbm>>
        %dma_wait3A_59 = tpu.memref_slice %arg4[%add3A_51] : memref<327680xi32, #tpu.memory_space<hbm>> -> memref<128xi32, #tpu.memory_space<hbm>>
        tpu.wait_dma2 semaphore(%run_scoped3A : memref<!tpu.dma_semaphore, #tpu.memory_space<semaphore_mem>>) src(%dma_wait3A_59 : memref<128xi32, #tpu.memory_space<hbm>>) dst(%arg8 : memref<128xi32, #tpu.memory_space<vmem>>)
        tpu.yield
      }) : () -> ()
      %dma_start3A = arith.constant 0 : i32
      %dma_start3A_52 = arith.constant 0 : i32
      %dma_start3A_53 = tpu.memref_slice %arg2[%dma_start3A, %dma_start3A_52] : memref<10240x128xf32, #tpu.memory_space<hbm>> -> memref<10240x128xf32, #tpu.memory_space<hbm>>
      tpu.enqueue_indirect_dma source(%dma_start3A_53 : memref<10240x128xf32, #tpu.memory_space<hbm>>) target(%arg11 : memref<128x128xf32, #tpu.memory_space<vmem>>) offsets(%arg7 : memref<128xi32, #tpu.memory_space<vmem>>) semaphore(%arg16 : memref<!tpu.dma_semaphore, #tpu.memory_space<semaphore_mem>>)
      %dma_wait3A = arith.constant 0 : i32
      %dma_wait3A_54 = arith.constant 0 : i32
      %dma_wait3A_55 = tpu.memref_slice %arg2[%dma_wait3A, %dma_wait3A_54] : memref<10240x128xf32, #tpu.memory_space<hbm>> -> memref<10240x128xf32, #tpu.memory_space<hbm>>
      tpu.wait_indirect_dma semaphore(%arg16 : memref<!tpu.dma_semaphore, #tpu.memory_space<semaphore_mem>>) src(%dma_wait3A_55 : memref<10240x128xf32, #tpu.memory_space<hbm>>) dst(%arg11 : memref<128x128xf32, #tpu.memory_space<vmem>>)
      "tpu.region"() ({
        %run_scoped3A = tpu.sem_alloc : memref<!tpu.dma_semaphore, #tpu.memory_space<semaphore_mem>>
        %dma_start3A_56 = arith.constant 0 : i32
        %dma_start3A_57 = arith.constant 0 : i32
        %dma_start3A_58 = tpu.memref_slice %arg13[%dma_start3A_56, %dma_start3A_57] : memref<10240x128xf32, #tpu.memory_space<vmem_shared>> -> memref<10240x128xf32, #tpu.memory_space<vmem_shared>>
        tpu.enqueue_indirect_dma source(%arg11 : memref<128x128xf32, #tpu.memory_space<vmem>>) target(%dma_start3A_58 : memref<10240x128xf32, #tpu.memory_space<vmem_shared>>) offsets(%arg8 : memref<128xi32, #tpu.memory_space<vmem>>) semaphore(%run_scoped3A : memref<!tpu.dma_semaphore, #tpu.memory_space<semaphore_mem>>) {add = true}
        %dma_wait3A_59 = arith.constant 0 : i32
        %dma_wait3A_60 = arith.constant 0 : i32
        %dma_wait3A_61 = tpu.memref_slice %arg13[%dma_wait3A_59, %dma_wait3A_60] : memref<10240x128xf32, #tpu.memory_space<vmem_shared>> -> memref<10240x128xf32, #tpu.memory_space<vmem_shared>>
        tpu.wait_indirect_dma semaphore(%run_scoped3A : memref<!tpu.dma_semaphore, #tpu.memory_space<semaphore_mem>>) src(%arg11 : memref<128x128xf32, #tpu.memory_space<vmem>>) dst(%dma_wait3A_61 : memref<10240x128xf32, #tpu.memory_space<vmem_shared>>)
        tpu.yield
      }) : () -> ()
    }
    %while3A_39 = arith.constant 1 : i32
    scf.for %while3A_48 = %while3A_37 to %while3A_33 step %while3A_39  : i32 {
      %mul3A_49 = arith.constant 128 : i32
      %mul3A_50 = arith.muli %while3A_48, %mul3A_49 : i32
      %add3A_51 = arith.addi %mul3A_10, %mul3A_50 : i32
      "tpu.region"() ({
        %run_scoped3A = tpu.sem_alloc : memref<!tpu.dma_semaphore, #tpu.memory_space<semaphore_mem>>
        %dma_start3A_56 = tpu.memref_slice %arg3[%add3A_51] : memref<327680xi32, #tpu.memory_space<hbm>> -> memref<128xi32, #tpu.memory_space<hbm>>
        %dma_start3A_57 = tpu.memref_slice %arg3[%add3A_51] : memref<327680xi32, #tpu.memory_space<hbm>> -> memref<128xi32, #tpu.memory_space<hbm>>
        tpu.enqueue_dma source(%dma_start3A_57 : memref<128xi32, #tpu.memory_space<hbm>>) target(%arg7 : memref<128xi32, #tpu.memory_space<vmem>>) target_semaphore(%run_scoped3A : memref<!tpu.dma_semaphore, #tpu.memory_space<semaphore_mem>>)
        %dma_wait3A_58 = tpu.memref_slice %arg3[%add3A_51] : memref<327680xi32, #tpu.memory_space<hbm>> -> memref<128xi32, #tpu.memory_space<hbm>>
        %dma_wait3A_59 = tpu.memref_slice %arg3[%add3A_51] : memref<327680xi32, #tpu.memory_space<hbm>> -> memref<128xi32, #tpu.memory_space<hbm>>
        tpu.wait_dma2 semaphore(%run_scoped3A : memref<!tpu.dma_semaphore, #tpu.memory_space<semaphore_mem>>) src(%dma_wait3A_59 : memref<128xi32, #tpu.memory_space<hbm>>) dst(%arg7 : memref<128xi32, #tpu.memory_space<vmem>>)
        tpu.yield
      }) : () -> ()
      "tpu.region"() ({
        %run_scoped3A = tpu.sem_alloc : memref<!tpu.dma_semaphore, #tpu.memory_space<semaphore_mem>>
        %dma_start3A_56 = tpu.memref_slice %arg4[%add3A_51] : memref<327680xi32, #tpu.memory_space<hbm>> -> memref<128xi32, #tpu.memory_space<hbm>>
        %dma_start3A_57 = tpu.memref_slice %arg4[%add3A_51] : memref<327680xi32, #tpu.memory_space<hbm>> -> memref<128xi32, #tpu.memory_space<hbm>>
        tpu.enqueue_dma source(%dma_start3A_57 : memref<128xi32, #tpu.memory_space<hbm>>) target(%arg8 : memref<128xi32, #tpu.memory_space<vmem>>) target_semaphore(%run_scoped3A : memref<!tpu.dma_semaphore, #tpu.memory_space<semaphore_mem>>)
        %dma_wait3A_58 = tpu.memref_slice %arg4[%add3A_51] : memref<327680xi32, #tpu.memory_space<hbm>> -> memref<128xi32, #tpu.memory_space<hbm>>
        %dma_wait3A_59 = tpu.memref_slice %arg4[%add3A_51] : memref<327680xi32, #tpu.memory_space<hbm>> -> memref<128xi32, #tpu.memory_space<hbm>>
        tpu.wait_dma2 semaphore(%run_scoped3A : memref<!tpu.dma_semaphore, #tpu.memory_space<semaphore_mem>>) src(%dma_wait3A_59 : memref<128xi32, #tpu.memory_space<hbm>>) dst(%arg8 : memref<128xi32, #tpu.memory_space<vmem>>)
        tpu.yield
      }) : () -> ()
      %dma_start3A = arith.constant 0 : i32
      %dma_start3A_52 = arith.constant 0 : i32
      %dma_start3A_53 = tpu.memref_slice %arg2[%dma_start3A, %dma_start3A_52] : memref<10240x128xf32, #tpu.memory_space<hbm>> -> memref<10240x128xf32, #tpu.memory_space<hbm>>
      tpu.enqueue_indirect_dma source(%dma_start3A_53 : memref<10240x128xf32, #tpu.memory_space<hbm>>) target(%arg11 : memref<128x128xf32, #tpu.memory_space<vmem>>) offsets(%arg7 : memref<128xi32, #tpu.memory_space<vmem>>) semaphore(%arg16 : memref<!tpu.dma_semaphore, #tpu.memory_space<semaphore_mem>>)
      %dma_wait3A = arith.constant 0 : i32
      %dma_wait3A_54 = arith.constant 0 : i32
      %dma_wait3A_55 = tpu.memref_slice %arg2[%dma_wait3A, %dma_wait3A_54] : memref<10240x128xf32, #tpu.memory_space<hbm>> -> memref<10240x128xf32, #tpu.memory_space<hbm>>
      tpu.wait_indirect_dma semaphore(%arg16 : memref<!tpu.dma_semaphore, #tpu.memory_space<semaphore_mem>>) src(%dma_wait3A_55 : memref<10240x128xf32, #tpu.memory_space<hbm>>) dst(%arg11 : memref<128x128xf32, #tpu.memory_space<vmem>>)
      "tpu.region"() ({
        %run_scoped3A = tpu.sem_alloc : memref<!tpu.dma_semaphore, #tpu.memory_space<semaphore_mem>>
        %dma_start3A_56 = arith.constant 0 : i32
        %dma_start3A_57 = arith.constant 0 : i32
        %dma_start3A_58 = tpu.memref_slice %arg13[%dma_start3A_56, %dma_start3A_57] : memref<10240x128xf32, #tpu.memory_space<vmem_shared>> -> memref<10240x128xf32, #tpu.memory_space<vmem_shared>>
        tpu.enqueue_indirect_dma source(%arg11 : memref<128x128xf32, #tpu.memory_space<vmem>>) target(%dma_start3A_58 : memref<10240x128xf32, #tpu.memory_space<vmem_shared>>) offsets(%arg8 : memref<128xi32, #tpu.memory_space<vmem>>) semaphore(%run_scoped3A : memref<!tpu.dma_semaphore, #tpu.memory_space<semaphore_mem>>) {add = true}
        %dma_wait3A_59 = arith.constant 0 : i32
        %dma_wait3A_60 = arith.constant 0 : i32
        %dma_wait3A_61 = tpu.memref_slice %arg13[%dma_wait3A_59, %dma_wait3A_60] : memref<10240x128xf32, #tpu.memory_space<vmem_shared>> -> memref<10240x128xf32, #tpu.memory_space<vmem_shared>>
        tpu.wait_indirect_dma semaphore(%run_scoped3A : memref<!tpu.dma_semaphore, #tpu.memory_space<semaphore_mem>>) src(%arg11 : memref<128x128xf32, #tpu.memory_space<vmem>>) dst(%dma_wait3A_61 : memref<10240x128xf32, #tpu.memory_space<vmem_shared>>)
        tpu.yield
      }) : () -> ()
    }
    %barrier3A_40 = arith.constant 0 : index
    tpu.barrier barrier_id(%barrier3A_40)
    %mul3A_41 = arith.constant 640 : i32
    %mul3A_42 = arith.muli %arg1, %mul3A_41 : i32
    %mul3A_43 = arith.constant 10240 : i32
    %mul3A_44 = arith.muli %arg0, %mul3A_43 : i32
    %mul3A_45 = arith.constant 640 : i32
    %mul3A_46 = arith.muli %arg1, %mul3A_45 : i32
    %add3A_47 = arith.addi %mul3A_44, %mul3A_46 : i32
    "tpu.region"() ({
      %run_scoped3A = tpu.sem_alloc : memref<!tpu.dma_semaphore, #tpu.memory_space<semaphore_mem>>
      %dma_start3A = arith.constant 0 : i32
      %dma_start3A_48 = tpu.memref_slice %arg6[%add3A_47, %dma_start3A] : memref<20480x128xf32, #tpu.memory_space<hbm>> -> memref<640x128xf32, #tpu.memory_space<hbm>>
      %dma_start3A_49 = arith.constant 0 : i32
      %dma_start3A_50 = tpu.memref_slice %arg13[%mul3A_42, %dma_start3A_49] : memref<10240x128xf32, #tpu.memory_space<vmem_shared>> -> memref<640x128xf32, #tpu.memory_space<vmem_shared>>
      tpu.enqueue_dma source(%dma_start3A_50 : memref<640x128xf32, #tpu.memory_space<vmem_shared>>) target(%dma_start3A_48 : memref<640x128xf32, #tpu.memory_space<hbm>>) target_semaphore(%run_scoped3A : memref<!tpu.dma_semaphore, #tpu.memory_space<semaphore_mem>>)
      %dma_wait3A = arith.constant 0 : i32
      %dma_wait3A_51 = tpu.memref_slice %arg6[%add3A_47, %dma_wait3A] : memref<20480x128xf32, #tpu.memory_space<hbm>> -> memref<640x128xf32, #tpu.memory_space<hbm>>
      %dma_wait3A_52 = arith.constant 0 : i32
      %dma_wait3A_53 = tpu.memref_slice %arg13[%mul3A_42, %dma_wait3A_52] : memref<10240x128xf32, #tpu.memory_space<vmem_shared>> -> memref<640x128xf32, #tpu.memory_space<vmem_shared>>
      tpu.wait_dma2 semaphore(%run_scoped3A : memref<!tpu.dma_semaphore, #tpu.memory_space<semaphore_mem>>) src(%dma_wait3A_53 : memref<640x128xf32, #tpu.memory_space<vmem_shared>>) dst(%dma_wait3A_51 : memref<640x128xf32, #tpu.memory_space<hbm>>)
      tpu.yield
    }) : () -> ()
    return
  }
}

module attributes {stable_mosaic.version = 14 : i64} {
  func.func @_mm_body(%arg0: i32, %arg1: memref<1024x128xf32, #tpu.memory_space<vmem>>, %arg2: memref<128x64xf32, #tpu.memory_space<vmem>>, %arg3: memref<1024x64xf32, #tpu.memory_space<vmem>>) attributes {dimension_semantics = [#tpu.dimension_semantics<arbitrary>], iteration_bounds = array<i64: 10>, scalar_prefetch = 0 : i64, scratch_operands = 0 : i64, tpu.core_type = #tpu.core_type<tc>, window_params = [{transform_indices = @transform_0, window_bounds = array<i64: 1024, 128>}, {pipeline_mode = #tpu.pipeline_mode<synchronous>, transform_indices = @transform_1, window_bounds = array<i64: 128, 64>}, {transform_indices = @transform_2, window_bounds = array<i64: 1024, 64>}]} {
    %get3A = arith.constant 0 : index
    %get3A_0 = arith.constant 0 : index
    %get3A_1 = vector.load %arg1[%get3A, %get3A_0] : memref<1024x128xf32, #tpu.memory_space<vmem>>, vector<1024x128xf32>
    %get3A_2 = arith.constant 0 : index
    %get3A_3 = arith.constant 0 : index
    %get3A_4 = vector.load %arg2[%get3A_2, %get3A_3] : memref<128x64xf32, #tpu.memory_space<vmem>>, vector<128x64xf32>
    %dot_general3A = arith.constant dense<0.000000e+00> : vector<1024x64xf32>
    %dot_general3A_5 = tpu.matmul %get3A_1, %get3A_4, %dot_general3A {dimension_numbers = #tpu.dot_dimension_numbers<[1], [0], [0], [1], [0, 0, 1, 1], [], []>, transpose_lhs_hint = false} : vector<1024x128xf32>, vector<128x64xf32>, vector<1024x64xf32> -> vector<1024x64xf32>
    %swap3A = arith.constant 0 : index
    %swap3A_6 = arith.constant 0 : index
    %swap3A_7 = vector.load %arg3[%swap3A, %swap3A_6] : memref<1024x64xf32, #tpu.memory_space<vmem>>, vector<1024x64xf32>
    tpu.vector_store %arg3[%swap3A, %swap3A_6], %dot_general3A_5 {strides = array<i32>} : memref<1024x64xf32, #tpu.memory_space<vmem>>, vector<1024x64xf32>,
    return
  }
  func.func @transform_0(%arg0: i32) -> (i32, i32) {
    %c0_i32 = arith.constant 0 : i32
    %c0_i32_0 = arith.constant 0 : i32
    return %arg0, %c0_i32 : i32, i32
  }
  func.func @transform_1(%arg0: i32) -> (i32, i32) {
    %c0_i32 = arith.constant 0 : i32
    %c0_i32_0 = arith.constant 0 : i32
    %c0_i32_1 = arith.constant 0 : i32
    return %c0_i32, %c0_i32_0 : i32, i32
  }
  func.func @transform_2(%arg0: i32) -> (i32, i32) {
    %c0_i32 = arith.constant 0 : i32
    %c0_i32_0 = arith.constant 0 : i32
    return %arg0, %c0_i32 : i32, i32
  }
}

module attributes {stable_mosaic.version = 14 : i64} {
  func.func @_scale_body(%arg0: i32, %arg1: memref<1024x64xf32, #tpu.memory_space<vmem>>, %arg2: memref<2x1024xf32, #tpu.memory_space<vmem>>, %arg3: memref<1024x128xf32, #tpu.memory_space<vmem>>) attributes {dimension_semantics = [#tpu.dimension_semantics<arbitrary>], iteration_bounds = array<i64: 10>, scalar_prefetch = 0 : i64, scratch_operands = 0 : i64, tpu.core_type = #tpu.core_type<tc>, window_params = [{transform_indices = @transform_0, window_bounds = array<i64: 1024, 64>}, {transform_indices = @transform_1, window_bounds = array<i64: 2, 1024>}, {transform_indices = @transform_2, window_bounds = array<i64: 1024, 128>}]} {
    %get3A = arith.constant 0 : index
    %get3A_0 = arith.constant 0 : index
    %get3A_1 = vector.load %arg2[%get3A, %get3A_0] : memref<2x1024xf32, #tpu.memory_space<vmem>>, vector<1x1024xf32>
    %get3A_2 = vector.shape_cast %get3A_1 : vector<1x1024xf32> to vector<1024xf32>
    %get3A_3 = arith.constant 1 : index
    %get3A_4 = arith.constant 0 : index
    %get3A_5 = vector.load %arg2[%get3A_3, %get3A_4] : memref<2x1024xf32, #tpu.memory_space<vmem>>, vector<1x1024xf32>
    %get3A_6 = vector.shape_cast %get3A_5 : vector<1x1024xf32> to vector<1024xf32>
    %add3A = arith.addf %get3A_2, %get3A_6 : vector<1024xf32>
    %add3A_7 = arith.constant 1.000000e+00 : f32
    %add3A_8 = vector.broadcast %add3A_7 : f32 to vector<1024xf32>
    %add3A_9 = arith.addf %add3A, %add3A_8 : vector<1024xf32>
    %rsqrt3A = math.rsqrt %add3A_9 : vector<1024xf32>
    %get3A_10 = arith.constant 0 : index
    %get3A_11 = arith.constant 0 : index
    %get3A_12 = vector.load %arg1[%get3A_10, %get3A_11] : memref<1024x64xf32, #tpu.memory_space<vmem>>, vector<1024x64xf32>
    %broadcast_in_dim3A = vector.shape_cast %rsqrt3A : vector<1024xf32> to vector<1024x1xf32>
    %mul3A = vector.broadcast %broadcast_in_dim3A : vector<1024x1xf32> to vector<1024x64xf32>
    %mul3A_13 = arith.mulf %get3A_12, %mul3A : vector<1024x64xf32>
    %broadcast_in_dim3A_14 = arith.constant 0.000000e+00 : f32
    %broadcast_in_dim3A_15 = vector.broadcast %broadcast_in_dim3A_14 : f32 to vector<1024x64xf32>
    %concatenate3A = tpu.concatenate %mul3A_13, %broadcast_in_dim3A_15 in 1 : vector<1024x64xf32>, vector<1024x64xf32> -> vector<1024x128xf32>
    %swap3A = arith.constant 0 : index
    %swap3A_16 = arith.constant 0 : index
    %swap3A_17 = vector.load %arg3[%swap3A, %swap3A_16] : memref<1024x128xf32, #tpu.memory_space<vmem>>, vector<1024x128xf32>
    tpu.vector_store %arg3[%swap3A, %swap3A_16], %concatenate3A {strides = array<i32>} : memref<1024x128xf32, #tpu.memory_space<vmem>>, vector<1024x128xf32>,
    return
  }
  func.func @transform_0(%arg0: i32) -> (i32, i32) {
    %c0_i32 = arith.constant 0 : i32
    %c0_i32_0 = arith.constant 0 : i32
    return %arg0, %c0_i32 : i32, i32
  }
  func.func @transform_1(%arg0: i32) -> (i32, i32) {
    %c0_i32 = arith.constant 0 : i32
    %c0_i32_0 = arith.constant 0 : i32
    return %c0_i32, %arg0 : i32, i32
  }
  func.func @transform_2(%arg0: i32) -> (i32, i32) {
    %c0_i32 = arith.constant 0 : i32
    %c0_i32_0 = arith.constant 0 : i32
    return %arg0, %c0_i32 : i32, i32
  }
}

module attributes {stable_mosaic.version = 14 : i64} {
  func.func @_l2_body(%arg0: i32, %arg1: memref<2x1024x128xf32, #tpu.memory_space<vmem>>, %arg2: memref<1024x128xf32, #tpu.memory_space<vmem>>, %arg3: memref<2x1024xf32, #tpu.memory_space<vmem>>, %arg4: memref<2x1024xf32, #tpu.memory_space<vmem>>, %arg5: memref<64xf32, #tpu.memory_space<vmem>>, %arg6: memref<64x64xf32, #tpu.memory_space<vmem>>, %arg7: memref<64x40xf32, #tpu.memory_space<vmem>>, %arg8: memref<1024x128xf32, #tpu.memory_space<vmem>>) attributes {dimension_semantics = [#tpu.dimension_semantics<arbitrary>], iteration_bounds = array<i64: 10>, scalar_prefetch = 0 : i64, scratch_operands = 0 : i64, tpu.core_type = #tpu.core_type<tc>, window_params = [{transform_indices = @transform_0, window_bounds = array<i64: 2, 1024, 128>}, {transform_indices = @transform_1, window_bounds = array<i64: 1024, 128>}, {transform_indices = @transform_2, window_bounds = array<i64: 2, 1024>}, {transform_indices = @transform_3, window_bounds = array<i64: 2, 1024>}, {pipeline_mode = #tpu.pipeline_mode<synchronous>, transform_indices = @transform_4, window_bounds = array<i64: 64>}, {pipeline_mode = #tpu.pipeline_mode<synchronous>, transform_indices = @transform_5, window_bounds = array<i64: 64, 64>}, {pipeline_mode = #tpu.pipeline_mode<synchronous>, transform_indices = @transform_6, window_bounds = array<i64: 64, 40>}, {transform_indices = @transform_7, window_bounds = array<i64: 1024, 128>}]} {
    %get3A = arith.constant 0 : index
    %get3A_0 = arith.constant 0 : index
    %get3A_1 = arith.constant 0 : index
    %get3A_2 = vector.load %arg1[%get3A, %get3A_0, %get3A_1] : memref<2x1024x128xf32, #tpu.memory_space<vmem>>, vector<1x1024x128xf32>
    %get3A_3 = vector.shape_cast %get3A_2 : vector<1x1024x128xf32> to vector<1024x128xf32>
    %get3A_4 = arith.constant 1 : index
    %get3A_5 = arith.constant 0 : index
    %get3A_6 = arith.constant 0 : index
    %get3A_7 = vector.load %arg1[%get3A_4, %get3A_5, %get3A_6] : memref<2x1024x128xf32, #tpu.memory_space<vmem>>, vector<1x1024x128xf32>
    %get3A_8 = vector.shape_cast %get3A_7 : vector<1x1024x128xf32> to vector<1024x128xf32>
    %add3A = arith.addf %get3A_3, %get3A_8 : vector<1024x128xf32>
    %get3A_9 = arith.constant 0 : index
    %get3A_10 = arith.constant 0 : index
    %get3A_11 = vector.load %arg2[%get3A_9, %get3A_10] : memref<1024x128xf32, #tpu.memory_space<vmem>>, vector<1024x128xf32>
    %add3A_12 = arith.addf %add3A, %get3A_11 : vector<1024x128xf32>
    %slice3A = vector.extract_strided_slice %add3A_12 {offsets = [0, 0], sizes = [1024, 64], strides = [1, 1]} : vector<1024x128xf32> to vector<1024x64xf32>
    %get3A_13 = arith.constant 0 : index
    %get3A_14 = arith.constant 0 : index
    %get3A_15 = vector.load %arg4[%get3A_13, %get3A_14] : memref<2x1024xf32, #tpu.memory_space<vmem>>, vector<1x1024xf32>
    %get3A_16 = vector.shape_cast %get3A_15 : vector<1x1024xf32> to vector<1024xf32>
    %get3A_17 = arith.constant 1 : index
    %get3A_18 = arith.constant 0 : index
    %get3A_19 = vector.load %arg4[%get3A_17, %get3A_18] : memref<2x1024xf32, #tpu.memory_space<vmem>>, vector<1x1024xf32>
    %get3A_20 = vector.shape_cast %get3A_19 : vector<1x1024xf32> to vector<1024xf32>
    %add3A_21 = arith.addf %get3A_16, %get3A_20 : vector<1024xf32>
    %add3A_22 = arith.constant 1.000000e+00 : f32
    %add3A_23 = vector.broadcast %add3A_22 : f32 to vector<1024xf32>
    %add3A_24 = arith.addf %add3A_21, %add3A_23 : vector<1024xf32>
    %rsqrt3A = math.rsqrt %add3A_24 : vector<1024xf32>
    %broadcast_in_dim3A = vector.shape_cast %rsqrt3A : vector<1024xf32> to vector<1024x1xf32>
    %mul3A = vector.broadcast %broadcast_in_dim3A : vector<1024x1xf32> to vector<1024x64xf32>
    %mul3A_25 = arith.mulf %slice3A, %mul3A : vector<1024x64xf32>
    %get3A_26 = arith.constant 0 : index
    %get3A_27 = vector.load %arg5[%get3A_26] : memref<64xf32, #tpu.memory_space<vmem>>, vector<64xf32>
    %broadcast_in_dim3A_28 = vector.shape_cast %get3A_27 : vector<64xf32> to vector<1x64xf32>
    %add3A_29 = vector.broadcast %broadcast_in_dim3A_28 : vector<1x64xf32> to vector<1024x64xf32>
    %add3A_30 = arith.addf %mul3A_25, %add3A_29 : vector<1024x64xf32>
    %max3A = arith.constant 0.000000e+00 : f32
    %max3A_31 = vector.broadcast %max3A : f32 to vector<1024x64xf32>
    %max3A_32 = arith.maximumf %add3A_30, %max3A_31 : vector<1024x64xf32>
    %get3A_33 = arith.constant 0 : index
    %get3A_34 = arith.constant 0 : index
    %get3A_35 = vector.load %arg3[%get3A_33, %get3A_34] : memref<2x1024xf32, #tpu.memory_space<vmem>>, vector<1x1024xf32>
    %get3A_36 = vector.shape_cast %get3A_35 : vector<1x1024xf32> to vector<1024xf32>
    %get3A_37 = arith.constant 1 : index
    %get3A_38 = arith.constant 0 : index
    %get3A_39 = vector.load %arg3[%get3A_37, %get3A_38] : memref<2x1024xf32, #tpu.memory_space<vmem>>, vector<1x1024xf32>
    %get3A_40 = vector.shape_cast %get3A_39 : vector<1x1024xf32> to vector<1024xf32>
    %add3A_41 = arith.addf %get3A_36, %get3A_40 : vector<1024xf32>
    %add3A_42 = arith.constant 1.000000e+00 : f32
    %add3A_43 = vector.broadcast %add3A_42 : f32 to vector<1024xf32>
    %add3A_44 = arith.addf %add3A_41, %add3A_43 : vector<1024xf32>
    %rsqrt3A_45 = math.rsqrt %add3A_44 : vector<1024xf32>
    %broadcast_in_dim3A_46 = vector.shape_cast %rsqrt3A_45 : vector<1024xf32> to vector<1024x1xf32>
    %mul3A_47 = vector.broadcast %broadcast_in_dim3A_46 : vector<1024x1xf32> to vector<1024x64xf32>
    %mul3A_48 = arith.mulf %max3A_32, %mul3A_47 : vector<1024x64xf32>
    %get3A_49 = arith.constant 0 : index
    %get3A_50 = arith.constant 0 : index
    %get3A_51 = vector.load %arg6[%get3A_49, %get3A_50] : memref<64x64xf32, #tpu.memory_space<vmem>>, vector<64x64xf32>
    %dot_general3A = arith.constant dense<0.000000e+00> : vector<1024x64xf32>
    %dot_general3A_52 = tpu.matmul %mul3A_48, %get3A_51, %dot_general3A {dimension_numbers = #tpu.dot_dimension_numbers<[1], [0], [0], [1], [0, 0, 1, 1], [], []>, transpose_lhs_hint = false} : vector<1024x64xf32>, vector<64x64xf32>, vector<1024x64xf32> -> vector<1024x64xf32>
    %get3A_53 = arith.constant 0 : index
    %get3A_54 = arith.constant 0 : index
    %get3A_55 = vector.load %arg7[%get3A_53, %get3A_54] : memref<64x40xf32, #tpu.memory_space<vmem>>, vector<64x40xf32>
    %dot_general3A_56 = arith.constant dense<0.000000e+00> : vector<1024x40xf32>
    %dot_general3A_57 = tpu.matmul %dot_general3A_52, %get3A_55, %dot_general3A_56 {dimension_numbers = #tpu.dot_dimension_numbers<[1], [0], [0], [1], [0, 0, 1, 1], [], []>, transpose_lhs_hint = false} : vector<1024x64xf32>, vector<64x40xf32>, vector<1024x40xf32> -> vector<1024x40xf32>
    %broadcast_in_dim3A_58 = arith.constant 0.000000e+00 : f32
    %broadcast_in_dim3A_59 = vector.broadcast %broadcast_in_dim3A_58 : f32 to vector<1024x88xf32>
    %concatenate3A = tpu.concatenate %dot_general3A_57, %broadcast_in_dim3A_59 in 1 : vector<1024x40xf32>, vector<1024x88xf32> -> vector<1024x128xf32>
    %swap3A = arith.constant 0 : index
    %swap3A_60 = arith.constant 0 : index
    %swap3A_61 = vector.load %arg8[%swap3A, %swap3A_60] : memref<1024x128xf32, #tpu.memory_space<vmem>>, vector<1024x128xf32>
    tpu.vector_store %arg8[%swap3A, %swap3A_60], %concatenate3A {strides = array<i32>} : memref<1024x128xf32, #tpu.memory_space<vmem>>, vector<1024x128xf32>,
    return
  }
  func.func @transform_0(%arg0: i32) -> (i32, i32, i32) {
    %c0_i32 = arith.constant 0 : i32
    %c0_i32_0 = arith.constant 0 : i32
    %c0_i32_1 = arith.constant 0 : i32
    return %c0_i32, %arg0, %c0_i32_0 : i32, i32, i32
  }
  func.func @transform_1(%arg0: i32) -> (i32, i32) {
    %c0_i32 = arith.constant 0 : i32
    %c0_i32_0 = arith.constant 0 : i32
    return %arg0, %c0_i32 : i32, i32
  }
  func.func @transform_2(%arg0: i32) -> (i32, i32) {
    %c0_i32 = arith.constant 0 : i32
    %c0_i32_0 = arith.constant 0 : i32
    return %c0_i32, %arg0 : i32, i32
  }
  func.func @transform_3(%arg0: i32) -> (i32, i32) {
    %c0_i32 = arith.constant 0 : i32
    %c0_i32_0 = arith.constant 0 : i32
    return %c0_i32, %arg0 : i32, i32
  }
  func.func @transform_4(%arg0: i32) -> i32 {
    %c0_i32 = arith.constant 0 : i32
    %c0_i32_0 = arith.constant 0 : i32
    return %c0_i32 : i32
  }
  func.func @transform_5(%arg0: i32) -> (i32, i32) {
    %c0_i32 = arith.constant 0 : i32
    %c0_i32_0 = arith.constant 0 : i32
    %c0_i32_1 = arith.constant 0 : i32
    return %c0_i32, %c0_i32_0 : i32, i32
  }
  func.func @transform_6(%arg0: i32) -> (i32, i32) {
    %c0_i32 = arith.constant 0 : i32
    %c0_i32_0 = arith.constant 0 : i32
    %c0_i32_1 = arith.constant 0 : i32
    return %c0_i32, %c0_i32_0 : i32, i32
  }
  func.func @transform_7(%arg0: i32) -> (i32, i32) {
    %c0_i32 = arith.constant 0 : i32
    %c0_i32_0 = arith.constant 0 : i32
    return %arg0, %c0_i32 : i32, i32
  }
}

module attributes {stable_mosaic.version = 14 : i64} {
  func.func @_fin_body(%arg0: i32, %arg1: memref<2x1024x128xf32, #tpu.memory_space<vmem>>, %arg2: memref<1024x128xf32, #tpu.memory_space<vmem>>, %arg3: memref<2x1024xf32, #tpu.memory_space<vmem>>, %arg4: memref<64xf32, #tpu.memory_space<vmem>>, %arg5: memref<64x40xf32, #tpu.memory_space<vmem>>, %arg6: memref<40xf32, #tpu.memory_space<vmem>>, %arg7: memref<1024x40xf32, #tpu.memory_space<vmem>>) attributes {dimension_semantics = [#tpu.dimension_semantics<arbitrary>], iteration_bounds = array<i64: 10>, scalar_prefetch = 0 : i64, scratch_operands = 0 : i64, tpu.core_type = #tpu.core_type<tc>, window_params = [{transform_indices = @transform_0, window_bounds = array<i64: 2, 1024, 128>}, {transform_indices = @transform_1, window_bounds = array<i64: 1024, 128>}, {transform_indices = @transform_2, window_bounds = array<i64: 2, 1024>}, {pipeline_mode = #tpu.pipeline_mode<synchronous>, transform_indices = @transform_3, window_bounds = array<i64: 64>}, {pipeline_mode = #tpu.pipeline_mode<synchronous>, transform_indices = @transform_4, window_bounds = array<i64: 64, 40>}, {pipeline_mode = #tpu.pipeline_mode<synchronous>, transform_indices = @transform_5, window_bounds = array<i64: 40>}, {transform_indices = @transform_6, window_bounds = array<i64: 1024, 40>}]} {
    %get3A = arith.constant 0 : index
    %get3A_0 = arith.constant 0 : index
    %get3A_1 = arith.constant 0 : index
    %get3A_2 = vector.load %arg1[%get3A, %get3A_0, %get3A_1] : memref<2x1024x128xf32, #tpu.memory_space<vmem>>, vector<1x1024x128xf32>
    %get3A_3 = vector.shape_cast %get3A_2 : vector<1x1024x128xf32> to vector<1024x128xf32>
    %get3A_4 = arith.constant 1 : index
    %get3A_5 = arith.constant 0 : index
    %get3A_6 = arith.constant 0 : index
    %get3A_7 = vector.load %arg1[%get3A_4, %get3A_5, %get3A_6] : memref<2x1024x128xf32, #tpu.memory_space<vmem>>, vector<1x1024x128xf32>
    %get3A_8 = vector.shape_cast %get3A_7 : vector<1x1024x128xf32> to vector<1024x128xf32>
    %add3A = arith.addf %get3A_3, %get3A_8 : vector<1024x128xf32>
    %get3A_9 = arith.constant 0 : index
    %get3A_10 = arith.constant 0 : index
    %get3A_11 = vector.load %arg2[%get3A_9, %get3A_10] : memref<1024x128xf32, #tpu.memory_space<vmem>>, vector<1024x128xf32>
    %add3A_12 = arith.addf %add3A, %get3A_11 : vector<1024x128xf32>
    %slice3A = vector.extract_strided_slice %add3A_12 {offsets = [0, 0], sizes = [1024, 40], strides = [1, 1]} : vector<1024x128xf32> to vector<1024x40xf32>
    %get3A_13 = arith.constant 0 : index
    %get3A_14 = arith.constant 0 : index
    %get3A_15 = vector.load %arg3[%get3A_13, %get3A_14] : memref<2x1024xf32, #tpu.memory_space<vmem>>, vector<1x1024xf32>
    %get3A_16 = vector.shape_cast %get3A_15 : vector<1x1024xf32> to vector<1024xf32>
    %get3A_17 = arith.constant 1 : index
    %get3A_18 = arith.constant 0 : index
    %get3A_19 = vector.load %arg3[%get3A_17, %get3A_18] : memref<2x1024xf32, #tpu.memory_space<vmem>>, vector<1x1024xf32>
    %get3A_20 = vector.shape_cast %get3A_19 : vector<1x1024xf32> to vector<1024xf32>
    %add3A_21 = arith.addf %get3A_16, %get3A_20 : vector<1024xf32>
    %add3A_22 = arith.constant 1.000000e+00 : f32
    %add3A_23 = vector.broadcast %add3A_22 : f32 to vector<1024xf32>
    %add3A_24 = arith.addf %add3A_21, %add3A_23 : vector<1024xf32>
    %rsqrt3A = math.rsqrt %add3A_24 : vector<1024xf32>
    %get3A_25 = arith.constant 0 : index
    %get3A_26 = vector.load %arg4[%get3A_25] : memref<64xf32, #tpu.memory_space<vmem>>, vector<64xf32>
    %broadcast_in_dim3A = vector.shape_cast %get3A_26 : vector<64xf32> to vector<1x64xf32>
    %get3A_27 = arith.constant 0 : index
    %get3A_28 = arith.constant 0 : index
    %get3A_29 = vector.load %arg5[%get3A_27, %get3A_28] : memref<64x40xf32, #tpu.memory_space<vmem>>, vector<64x40xf32>
    %dot_general3A = arith.constant dense<0.000000e+00> : vector<1x40xf32>
    %dot_general3A_30 = tpu.matmul %broadcast_in_dim3A, %get3A_29, %dot_general3A {dimension_numbers = #tpu.dot_dimension_numbers<[1], [0], [0], [1], [0, 0, 1, 1], [], []>, transpose_lhs_hint = false} : vector<1x64xf32>, vector<64x40xf32>, vector<1x40xf32> -> vector<1x40xf32>
    %get3A_31 = arith.constant 0 : index
    %get3A_32 = vector.load %arg6[%get3A_31] : memref<40xf32, #tpu.memory_space<vmem>>, vector<40xf32>
    %broadcast_in_dim3A_33 = vector.shape_cast %get3A_32 : vector<40xf32> to vector<1x40xf32>
    %add3A_34 = arith.addf %dot_general3A_30, %broadcast_in_dim3A_33 : vector<1x40xf32>
    %broadcast_in_dim3A_35 = vector.shape_cast %rsqrt3A : vector<1024xf32> to vector<1024x1xf32>
    %mul3A = vector.broadcast %broadcast_in_dim3A_35 : vector<1024x1xf32> to vector<1024x40xf32>
    %mul3A_36 = arith.mulf %slice3A, %mul3A : vector<1024x40xf32>
    %add3A_37 = vector.broadcast %add3A_34 : vector<1x40xf32> to vector<1024x40xf32>
    %add3A_38 = arith.addf %mul3A_36, %add3A_37 : vector<1024x40xf32>
    %swap3A = arith.constant 0 : index
    %swap3A_39 = arith.constant 0 : index
    %swap3A_40 = vector.load %arg7[%swap3A, %swap3A_39] : memref<1024x40xf32, #tpu.memory_space<vmem>>, vector<1024x40xf32>
    tpu.vector_store %arg7[%swap3A, %swap3A_39], %add3A_38 {strides = array<i32>} : memref<1024x40xf32, #tpu.memory_space<vmem>>, vector<1024x40xf32>,
    return
  }
  func.func @transform_0(%arg0: i32) -> (i32, i32, i32) {
    %c0_i32 = arith.constant 0 : i32
    %c0_i32_0 = arith.constant 0 : i32
    %c0_i32_1 = arith.constant 0 : i32
    return %c0_i32, %arg0, %c0_i32_0 : i32, i32, i32
  }
  func.func @transform_1(%arg0: i32) -> (i32, i32) {
    %c0_i32 = arith.constant 0 : i32
    %c0_i32_0 = arith.constant 0 : i32
    return %arg0, %c0_i32 : i32, i32
  }
  func.func @transform_2(%arg0: i32) -> (i32, i32) {
    %c0_i32 = arith.constant 0 : i32
    %c0_i32_0 = arith.constant 0 : i32
    return %c0_i32, %arg0 : i32, i32
  }
  func.func @transform_3(%arg0: i32) -> i32 {
    %c0_i32 = arith.constant 0 : i32
    %c0_i32_0 = arith.constant 0 : i32
    return %c0_i32 : i32
  }
  func.func @transform_4(%arg0: i32) -> (i32, i32) {
    %c0_i32 = arith.constant 0 : i32
    %c0_i32_0 = arith.constant 0 : i32
    %c0_i32_1 = arith.constant 0 : i32
    return %c0_i32, %c0_i32_0 : i32, i32
  }
  func.func @transform_5(%arg0: i32) -> i32 {
    %c0_i32 = arith.constant 0 : i32
    %c0_i32_0 = arith.constant 0 : i32
    return %c0_i32 : i32
  }
  func.func @transform_6(%arg0: i32) -> (i32, i32) {
    %c0_i32 = arith.constant 0 : i32
    %c0_i32_0 = arith.constant 0 : i32
    return %arg0, %c0_i32 : i32, i32
  }
}

</mosaic_0001>

<sc_bundles>
// kernel: kernel.12.cloned.1.call-start
scs
__scs_entry_jumppad:
0x0: {  	(pc) =	sbr.rel $0x88, $3  }
0x1: {  	(tag) =	ssettag $0x0;
	lr =	simm.s32 $0x1  }
0x2: {  	[smem:$0x3F99] =	sst lr;
	_ =	strace $0xD0000000  }
0x3: {  	_ = 	snop  }
0x4: {  	_ = 	snop  }
0x5: {  	_ = 	snop  }
0x6: {  	_ = 	snop  }
0x7: {  	_ = 	snop  }
__scs_overlays_trampoline_lowered:
0x8: {  	[smem:$0x3FA8] =	sst s0  }
0x9: {  	[smem:$0x3FA9] =	sst s1  }
0xa: {  	[smem:$0x3FAA] =	sst s2  }
0xb: {  	[smem:$0x3FAB] =	sst s3  }
0xc: {  	[smem:$0x3FAC] =	sst s4  }
0xd: {  	[smem:$0x3FAD] =	sst s5  }
0xe: {  	[smem:$0x3FAE] =	sst s6  }
0xf: {  	[smem:$0x3FAF] =	sst s7  }
0x10: {  	[smem:$0x3FB0] =	sst s8  }
0x11: {  	[smem:$0x3FB1] =	sst s9;
	s0 =	simm.s32 @!p0 $0x0  }
0x12: {  	s1 =	sld [smem:$0x3F97];
	s0 =	simm.s32 @p0 $0x1  }
0x13: {  	[smem:$0x3FB2] =	sst s0;
	s0 =	simm.s32 @!p1 $0x0  }
0x14: {  	s2 =	sld [smem:$0x3F96];
	s0 =	simm.s32 @p1 $0x1  }
0x15: {  	[smem:$0x3FB3] =	sst s0;
	s0 =	simm.s32 @!p2 $0x0  }
0x16: {  	s3 =	sld [smem:$0x3FDB];
	s0 =	simm.s32 @p2 $0x1  }
0x17: {  	s4 =	simm.s32 $0x1BF5;
	[smem:$0x3FB5] =	sst s0  }
0x18: {  	s0 =	sld [smem:$0x3F98];
	_ =	swait.ge [sflag:s4], $0x0  }
0x19: {  	s7 =	sld [smem:$0x3F99]  }
0x1a: {  	s8 =	sadd.s32 $0xFFFFE003, lr  }
0x1b: {  	s9 =	sadd.s32 $0xFFFFFEF7, lr;
	s5 =	simm.s32 $0xFFFFFFFF;
	p2 =	slt.u32 s8, $0xFFFFF086  }
0x1c: {  	p1 =	slt.u32 s9, $0xF7A;
	s5 =	simm.s32 @!p2 $0x0  }
0x1d: {  	s5 =	simm.s32 @p1 $0x1;
	p0 =	seq.s32 s7, s2  }
0x1e: {  	s7 =	smul.u32 @!p0 $0xF7A, s2;
	p2 =	seq.s32 @!p0 s5, $0x0  }
0x1f: {  	s9 =	smul.u32 $0xF7A, s1;
	s8 =	simm.s32 @!p0 $0x1BF5;
	p2 =	por !p2, p0  }
0x20: {  	[sflag:s8] =	ssyncset.s32 @!p0 $0xFFFFF086;
	s6 =	sadd.s32 @!p0 s3, s7;
	s7 =	simm.s32 @!p0 $0x108  }
0x21: {  	s3 =	sadd.s32 s3, s9;
	s6 =	sadd.s32 @!p0 $0x88, s6;
	s7 =	simm.s32 @p2 $0x1082  }
0x22: {  	[simem:s7], [sflag:s8] =	dma.local @!p0 [hbm:s6], $0xF7A  }
0x23: {  	s9 =	sor.u32 $0xD0000000, s2;
	s6 =	simm.s32 $0x108;
	_ =	swait.ge @!p0 [sflag:s8], $0x0  }
0x24: {  	s3 =	sadd.s32 $0x88, s3;
	s6 =	simm.s32 @!p1 $0x1082;
	[sflag:s4] =	ssyncset.s32 $0xFFFFF086  }
0x25: {  	[simem:s6], [sflag:s4] =	dma.local [hbm:s3], $0xF7A  }
0x26: {  	[smem:$0x3F99] =	sst s1;
	(tag) =	ssettag s2;
	_ =	strace s9  }
0x27: {  	s1 =	sld [smem:$0x3FA9]  }
0x28: {  	s2 =	sld [smem:$0x3FAA]  }
0x29: {  	s4 =	sld [smem:$0x3FAC]  }
0x2a: {  	p0 =	seq.s32 s5, $0x0;
	s5 =	sld [smem:$0x3FAD]  }
0x2b: {  	s6 =	sld [smem:$0x3FAE]  }
0x2c: {  	s7 =	sld [smem:$0x3FAF]  }
0x2d: {  	s3 =	simm.s32 $0x108;
	s8 =	sld [smem:$0x3FB0]  }
0x2e: {  	s3 =	simm.s32 @!p0 $0x1082;
	s9 =	sld [smem:$0x3FB1]  }
0x2f: {  	lr =	sadd.s32 s0, s3;
	s0 =	sld [smem:$0x3FA8]  }
0x30: {  	s3 =	sld [smem:$0x3FAB]  }
0x31: {  	[smem:$0x3FB4] =	sst s10  }
0x32: {  	s10 =	sld [smem:$0x3FB2];
	_ =	sdelay $0x3  }
0x33: {  	p0 =	seq.s32 s10, $0x1;
	s10 =	sld [smem:$0x3FB4];
	_ =	sdelay $0x3  }
0x34: {  	[smem:$0x3FB4] =	sst s10  }
0x35: {  	s10 =	sld [smem:$0x3FB3];
	_ =	sdelay $0x3  }
0x36: {  	p1 =	seq.s32 s10, $0x1;
	s10 =	sld [smem:$0x3FB4];
	_ =	sdelay $0x3  }
0x37: {  	[smem:$0x3FB4] =	sst s10  }
0x38: {  	s10 =	sld [smem:$0x3FB5]  }
0x39: {  	_ = 	snop;
	(pc) =	sbr.ind lr, $3  }
0x3a: {  	_ = 	snop  }
0x3b: {  	_ = 	snop  }
0x3c: {  	p2 =	seq.s32 s10, $0x1;
	s10 =	sld [smem:$0x3FB4]  }
0x3d: {  	_ =	shalt  }
0x3e: {  	_ =	shalt  }
0x3f: {  	_ =	shalt  }
0x40: {  	_ =	shalt  }
0x41: {  	_ =	shalt  }
0x42: {  	_ =	shalt  }
0x43: {  	_ =	shalt  }
0x44: {  	_ =	shalt  }
0x45: {  	_ =	shalt  }
0x46: {  	_ =	shalt  }
0x47: {  	_ =	shalt  }
0x48: {  	_ =	shalt  }
0x49: {  	_ =	shalt  }
0x4a: {  	_ =	shalt  }
0x4b: {  	_ =	shalt  }
0x4c: {  	_ =	shalt  }
0x4d: {  	_ =	shalt  }
0x4e: {  	_ =	shalt  }
0x4f: {  	_ =	shalt  }
0x50: {  	_ =	shalt  }
0x51: {  	_ =	shalt  }
0x52: {  	_ =	shalt  }
0x53: {  	_ =	shalt  }
0x54: {  	_ =	shalt  }
0x55: {  	_ =	shalt  }
0x56: {  	_ =	shalt  }
0x57: {  	_ =	shalt  }
0x58: {  	_ =	shalt  }
0x59: {  	_ =	shalt  }
0x5a: {  	_ =	shalt  }
0x5b: {  	_ =	shalt  }
0x5c: {  	_ =	shalt  }
0x5d: {  	_ =	shalt  }
0x5e: {  	_ =	shalt  }
0x5f: {  	_ =	shalt  }
0x60: {  	_ =	shalt  }
0x61: {  	_ =	shalt  }
0x62: {  	_ =	shalt  }
0x63: {  	_ =	shalt  }
0x64: {  	_ =	shalt  }
0x65: {  	_ =	shalt  }
0x66: {  	_ =	shalt  }
0x67: {  	_ =	shalt  }
0x68: {  	_ =	shalt  }
0x69: {  	_ =	shalt  }
0x6a: {  	_ =	shalt  }
0x6b: {  	_ =	shalt  }
0x6c: {  	_ =	shalt  }
0x6d: {  	_ =	shalt  }
0x6e: {  	_ =	shalt  }
0x6f: {  	_ =	shalt  }
0x70: {  	_ =	shalt  }
0x71: {  	_ =	shalt  }
0x72: {  	_ =	shalt  }
0x73: {  	_ =	shalt  }
0x74: {  	_ =	shalt  }
0x75: {  	_ =	shalt  }
0x76: {  	_ =	shalt  }
0x77: {  	_ =	shalt  }
0x78: {  	_ =	shalt  }
0x79: {  	_ =	shalt  }
0x7a: {  	_ =	shalt  }
0x7b: {  	_ =	shalt  }
0x7c: {  	_ =	shalt  }
0x7d: {  	_ =	shalt  }
0x7e: {  	_ =	shalt  }
0x7f: {  	_ =	shalt  }
0x80: {  	_ =	shalt  }
0x81: {  	_ =	shalt  }
0x82: {  	_ =	shalt  }
0x83: {  	_ =	shalt  }
0x84: {  	_ =	shalt  }
0x85: {  	_ =	shalt  }
0x86: {  	_ =	shalt  }
0x87: {  	_ =	shalt  }
.Lfunc_end0:
.L_simem_size_0:
called_computation.1_lowered:
.L_overlay_start_0:
0x88: {  	s2 =	sld [smem:$0x3FD9]  }
0x89: {  	s3 =	sld [smem:$0x3FFE];
	_ =	sdelay $0x1  }
0x8a: {  	s1 =	srdreg.scid  }
0x8b: {  	s0 =	sand.u32 $0x1, s1  }
0x8c: {  	s17 =	sshll.u32 s0, $0xA;
	s2 =	sadd.s32 s3, s2  }
0x8d: {  	s2 =	sadd.s32 s2, s17  }
0x8e: {  	[smem:$0x3FC0] =	sst s2  }
0x8f: {  	_ = 	snop  }
0x90: {  	s2 =	sld [smem:$0x3FD0];
	(tm) =	ssettm $0x1  }
0x91: {  	s18 =	sld [smem:$0x3FFB];
	_ =	sdelay $0x3  }
0x92: {  	_ =	strace s18  }
0x93: {  	s3 =	sld [smem:$0x3FFC];
	_ =	sdelay $0x3  }
0x94: {  	_ =	strace s3  }
0x95: {  	s3 =	sld [smem:$0x3FFD];
	_ =	sdelay $0x3  }
0x96: {  	_ =	strace s3  }
0x97: {  	_ =	strace $0x8FFFFFFF  }
0x98: {  	s19 =	sld [smem:$0x3FDB];
	_ =	sdelay $0x1  }
0x99: {  	s4 =	simm.s32 $_scs_section_size  }
0x9a: {  	s5 =	simm.s32 $_size__tile_overlayer_lowered;
	s6 =	simm.s32 $_tile_overlayer_lowered  }
0x9b: {  	s22 =	simm.s32 $0x1BFF;
	s21 =	sshll.u32 s6, $0x1;
	s3 =	sadd.s32 s4, s19  }
0x9c: {  	s7 =	simm.s32 $0x0;
	s20 =	sshll.u32 s5, $0x1;
	s5 =	sadd.s32 s21, s3  }
0x9d: {  	[timem:s7], [sflag:s22] =	dma.local [hbm:s5], s20  }
0x9e: {  	_ =	swait.ge [sflag:s22], s20  }
0x9f: {  	s4 =	ssub.s32 $0x0, s20;
	[sflag:s22] =	ssyncset.done $0x0  }
0xa0: {  	[sflag:s22] =	ssyncadd.s32 s4;
	_ =	sdelay $0x1  }
0xa1: {  	s23 =	simm.s32 $0x1B8B  }
0xa2: {  	_ =	swait.ge [sflag:s23], $0x1  }
0xa3: {  	[sflag:s23] =	ssyncset.done $0x0  }
0xa4: {  	s25 =	simm.s32 $0x1B8E;
	s24 =	sld [smem:$0x3FFE];
	[sflag:s23] =	ssyncadd.s32 $0xFFFFFFFF  }
0xa5: {  	s26 =	simm.s32 $execute0_lowered;
	[smem:$0x3FD2] =	sst s25  }
0xa6: {  	s5 =	sshll.u32 s26, $0x1;
	_ =	strace $0x80000049;
	[dreg:$0x1] =	wrdreg $0xFFFFFFFF  }
0xa7: {  	s28 =	simm.s32 $_size_execute0_lowered;
	s3 =	sadd.s32 s3, s5;
	[dreg:$0x0] =	wrdreg $0x0  }
0xa8: {  	s5 =	sshll.u32 s28, $0x1;
	[dreg:$0x2] =	wrdreg s3  }
0xa9: {  	[dreg:$0x3] =	wrdreg s5  }
0xaa: {  	[dreg:$0x4] =	wrdreg $0xC0  }
0xab: {  	_ =	task [dreg:s7], $0x5FFFF  }
0xac: {  	[dreg:$0x1] =	wrdreg $0xFFFFFFFF  }
0xad: {  	[dreg:$0x0] =	wrdreg $0x60  }
0xae: {  	[dreg:$0x2] =	wrdreg s24  }
0xaf: {  	[dreg:$0x3] =	wrdreg s2  }
0xb0: {  	[dreg:$0x4] =	wrdreg $0x41000  }
0xb1: {  	[dreg:$0x5] =	wrdreg $0x9  }
0xb2: {  	_ =	task.clear_ibuf [dreg:s7], $0x6FFFF;
	_ =	strace $0x90000049  }
0xb3: {  	s29 =	simm.s32 $0x9;
	_ =	strace $0x8000004B  }
0xb4: {  	_ =	swait.ge [sflag:s29], $0x1  }
0xb5: {  	[sflag:s29] =	ssyncadd.s32 $0xFFFFFFFF  }
0xb6: {  	_ =	strace $0x9000004B  }
0xb7: {  	_ =	sfence  }
0xb8: {  	s30 =	sld [smem:$0x0];
	_ =	sdelay $0x2  }
0xb9: {  	s31 =	sshll.u32 s1, $0xD;
	s1 =	sshrl.u32 s1, $0x2  }
0xba: {  	s3 =	sand.u32 $0x4000, s31;
	s1 =	sadd.s32 s1, s30  }
0xbb: {  	s0 =	sor.u32 s3, s0;
	s1 =	sshll.u32 s1, $0x11  }
0xbc: {  	s0 =	sor.u32 s1, s0  }
0xbd: {  	s0 =	sadd.s32 $0x8F2B, s0  }
0xbe: {  	[sflag:s0] =	ssyncadd.remote.s32 $0x1  }
0xbf: {  	_ =	sfence.sel $0xFFFF  }
0xc0: {  	[dreg:$0x0] =	wrdreg $0xFFFFFFFF;
	(pc) =	sbr.abs _section_cstart, $3  }
0xc1: {  	[dreg:$0x1] =	wrdreg $0xFFFFFFFF  }
0xc2: {  	_ =	task.clear_ibuf [dreg:s7], $0x2FFFF;
	_ =	strace $0x9FFFFFFF  }
0xc3: {  	(tm) =	ssettm $0x7FFFFFFF  }
tec
execute0_lowered:
.L_overlay_start_1:
0x0: {  	(tag) =	ssettag $0x1  }
0x1: {  	s7 =	rddreg [dreg:$0x0]  }
0x2: {  	s11 =	rddreg [dreg:$0x1]  }
0x3: {  	s2 =	rddreg [dreg:$0x2];
	s0 =	stileid.u32  }
0x4: {  	s3 =	srdreg.scid;
	s1 =	rddreg [dreg:$0x3];
	s16 =	simm.s32 $0x2  }
0x5: {  	s17 =	simm.s32 $0x80;
	s18 =	simm.s32 $0x1;
	s21 =	simm.s32 $0x0  }
0x6: {  	s6 =	smul.u32 $0x2800, s0;
	s8 =	sand.u32 $0x1, s3;
	s3 =	simm.s32 $0x0  }
0x7: {  	s9 =	smul.u32 $0x50000, s0;
	s5 =	sadd.s32 $0xD000, s7;
	s19 =	sshll.u32 s0, $0x6  }
0x8: {  	p0 =	seq.s32 s8, $0x0;
	[smem:$0x7FF] =	sst s3;
	s10 =	smul.u32 $0x28000, s8  }
0x9: {  	s8 =	ssub.s32 $0x2, s8;
	s19 =	sor.u32 $0x1C02, s19;
	s4 =	sadd.s32 $0x28000, s6  }
0xa: {  	_ =	strace $0x8000004A;
	s9 =	sshrl.u32 s9, $0x2;
	s14 =	sshrl.u32 s8, $0x1  }
0xb: {  	s4 =	smov.u32 @p0 s6;
	s10 =	sadd.s32 s6, s10;
	s6 =	sadd.s32 s9, s2  }
0xc: {  	s14 =	ssub.s32 s8, s14;
	s12 =	sshrl.u32 s4, $0x3;
	s4 =	sadd.s32 $0xE400, s7  }
0xd: {  	s15 =	sadd.s32 s10, s7;
	s8 =	sadd.s32 $0x8000, s6;
	s9 =	sadd.s32 $0xC000, s6  }
0xe: {  	s10 =	sadd.s32 $0x10000, s6;
	s14 =	smax.u32 s14, $0x1;
	s20 =	sshrl.u32 s6, $0x3  }
0xf: {  	s13 =	sadd.s32 s12, s7;
	s7 =	sadd.s32 $0x4000, s6;
	s11 =	sadd.s32 s11, s12  }
0x10: {  	s12 =	sadd.s32 $0x3000, s13;
	s13 =	sadd.s32 $0x36400, s15;
	s15 =	simm.s32 $0x100  }
.LBB2_1:
0x11: {  	[tilespmem:s15], [sflag:$0x2] =	stream.linear.gather [hbm4b:s5+s3], $0x4000, $0x38;
	[tilespmem:$0x18100] =	vst v63  }
0x12: {  	_ =	swait.ge [sflag:s16], $0x4000  }
0x13: {  	[sflag:s16] =	ssyncset.done $0x0  }
0x14: {  	[sflag:s16] =	ssyncadd.s32 $0xFFFFC000  }
0x15: {  	[spmem:s6] =	stream.linear.scatter [tilespmem:s15], [sflag:$0x2], $0x4000, $0x38;
	[tilespmem:$0x18100] =	vst v63  }
0x16: {  	_ =	swait.ge [sflag:s16], $0x4000  }
0x17: {  	[sflag:s16] =	ssyncset.done $0x0  }
0x18: {  	[sflag:s16] =	ssyncadd.s32 $0xFFFFC000  }
0x19: {  	[spmem:s7] =	stream.linear.scatter [tilespmem:s15], [sflag:$0x2], $0x4000, $0x38;
	[tilespmem:$0x18100] =	vst v63  }
0x1a: {  	_ =	swait.ge [sflag:s16], $0x4000  }
0x1b: {  	[sflag:s16] =	ssyncset.done $0x0  }
0x1c: {  	[sflag:s16] =	ssyncadd.s32 $0xFFFFC000  }
0x1d: {  	[spmem:s8] =	stream.linear.scatter [tilespmem:s15], [sflag:$0x2], $0x4000, $0x38;
	[tilespmem:$0x18100] =	vst v63  }
0x1e: {  	_ =	swait.ge [sflag:s16], $0x4000  }
0x1f: {  	[sflag:s16] =	ssyncset.done $0x0  }
0x20: {  	[sflag:s16] =	ssyncadd.s32 $0xFFFFC000  }
0x21: {  	[spmem:s9] =	stream.linear.scatter [tilespmem:s15], [sflag:$0x2], $0x4000, $0x38;
	[tilespmem:$0x18100] =	vst v63  }
0x22: {  	_ =	swait.ge [sflag:s16], $0x4000  }
0x23: {  	[sflag:s16] =	ssyncset.done $0x0  }
0x24: {  	[sflag:s16] =	ssyncadd.s32 $0xFFFFC000  }
0x25: {  	[spmem:s10] =	stream.linear.scatter [tilespmem:s15], [sflag:$0x2], $0x4000, $0x38;
	[tilespmem:$0x18100] =	vst v63  }
0x26: {  	_ =	swait.ge [sflag:s16], $0x4000  }
0x27: {  	[sflag:s16] =	ssyncset.done $0x0  }
0x28: {  	[sflag:s16] =	ssyncadd.s32 $0xFFFFC000  }
0x29: {  	[tilespmem:s3], [sflag:$0x2] =	stream.linear.gather [hbm4b:s11+s3], $0x80, $0x38;
	[tilespmem:$0x18100] =	vst v63  }
0x2a: {  	_ =	swait.ge [sflag:s16], $0x80  }
0x2b: {  	[sflag:s16] =	ssyncset.done $0x0  }
0x2c: {  	[sflag:s16] =	ssyncadd.s32 $0xFFFFFF80  }
0x2d: {  	[tilespmem:s17], [sflag:$0x2] =	stream.linear.gather [hbm4b:s12+s3], $0x80, $0x38;
	[tilespmem:$0x18100] =	vst v63  }
0x2e: {  	_ =	swait.ge [sflag:s16], $0x80  }
0x2f: {  	[sflag:s16] =	ssyncset.done $0x0  }
0x30: {  	[sflag:s16] =	ssyncadd.s32 $0xFFFFFF80  }
0x31: {  	s22 =	sadd.s32 $0x0, s11;
	[bflag:$0x0] =	sbarrier.arrive $0xFFFF  }
0x32: {  	[tilespmem:s3], [sflag:$0x2] =	stream.linear.gather [hbm4b:s22+s3], $0x80, $0x38;
	[tilespmem:$0x18100] =	vst v63  }
0x33: {  	_ =	swait.ge [sflag:s16], $0x80  }
0x34: {  	[sflag:s16] =	ssyncset.done $0x0  }
0x35: {  	s31 =	sadd.s32 $0x0, s12;
	[sflag:s16] =	ssyncadd.s32 $0xFFFFFF80  }
0x36: {  	[tilespmem:s17], [sflag:$0x2] =	stream.linear.gather [hbm4b:s31+s3], $0x80, $0x38;
	[tilespmem:$0x18100] =	vst v63  }
0x37: {  	_ =	swait.ge [sflag:s16], $0x80  }
0x38: {  	[sflag:s16] =	ssyncset.done $0x0  }
0x39: {  	[sflag:s16] =	ssyncadd.s32 $0xFFFFFF80  }
0x3a: {  	[tilespmem:s15], [sflag:$0x1] =	stream.indirect.gather [hbm4b:s4+s17], $0x80, s3, s17, $0xb8;
	[tilespmem:$0x18100] =	vst v63  }
0x3b: {  	_ =	swait.ge [sflag:s18], $0x4000  }
0x3c: {  	[sflag:s18] =	ssyncset.done $0x0  }
0x3d: {  	[sflag:s18] =	ssyncadd.s32 $0xFFFFC000  }
0x3e: {  	[spmem:s2] =	stream.indirect.scatter.add.f32 [tilespmem:s15], [sflag:$0x2], $0x80, s17, s17, $0xb8;
	[tilespmem:$0x18100] =	vst v63  }
0x3f: {  	_ =	swait.ge [sflag:s16], $0x4000  }
0x40: {  	s23 =	simm.s32 $0x20;
	s22 =	simm.s32 $0x10;
	[sflag:s16] =	ssyncset.done $0x0  }
.LBB2_2:
0x41: {  	s24 =	sadd.s32 s22, s11  }
0x42: {  	[sflag:s16] =	ssyncadd.s32 $0xFFFFC000;
	s25 =	smov.u32 s23;
	s26 =	sadd.s32 $0x10, s23  }
0x43: {  	[tilespmem:s3], [sflag:$0x2] =	stream.linear.gather [hbm4b:s24+s3], $0x80, $0x38;
	[tilespmem:$0x18100] =	vst v63  }
0x44: {  	p0 =	sne.s32 s23, $0x4F0;
	_ =	swait.ge [sflag:s16], $0x80  }
0x45: {  	[sflag:s16] =	ssyncset.done $0x0  }
0x46: {  	s23 =	sadd.s32 s22, s12;
	s22 =	smov.u32 s25;
	[sflag:s16] =	ssyncadd.s32 $0xFFFFFF80  }
0x47: {  	[tilespmem:s17], [sflag:$0x2] =	stream.linear.gather [hbm4b:s23+s3], $0x80, $0x38;
	[tilespmem:$0x18100] =	vst v63  }
0x48: {  	_ =	swait.ge [sflag:s16], $0x80  }
0x49: {  	[sflag:s16] =	ssyncset.done $0x0  }
0x4a: {  	[sflag:s16] =	ssyncadd.s32 $0xFFFFFF80  }
0x4b: {  	[tilespmem:s15], [sflag:$0x1] =	stream.indirect.gather [hbm4b:s4+s17], $0x80, s3, s17, $0xb8;
	[tilespmem:$0x18100] =	vst v63  }
0x4c: {  	_ =	swait.ge [sflag:s18], $0x4000  }
.Ltmp0:
0x4d: {  	[sflag:s18] =	ssyncset.done $0x0;
	(pc) =	sbr.rel @p0 .LBB2_2-.Ltmp0, $4  }
0x4e: {  	[sflag:s18] =	ssyncadd.s32 $0xFFFFC000  }
0x4f: {  	[spmem:s2] =	stream.indirect.scatter.add.f32 [tilespmem:s15], [sflag:$0x2], $0x80, s17, s17, $0xb8;
	[tilespmem:$0x18100] =	vst v63  }
0x50: {  	_ =	swait.ge [sflag:s16], $0x4000  }
0x51: {  	s23 =	smov.u32 s26;
	[sflag:s16] =	ssyncset.done $0x0  }
0x52: {  	s23 =	sadd.s32 s22, s11;
	[sflag:s16] =	ssyncadd.s32 $0xFFFFC000  }
0x53: {  	[tilespmem:s3], [sflag:$0x2] =	stream.linear.gather [hbm4b:s23+s3], $0x80, $0x38;
	[tilespmem:$0x18100] =	vst v63  }
0x54: {  	_ =	swait.ge [sflag:s16], $0x80  }
0x55: {  	[sflag:s16] =	ssyncset.done $0x0  }
0x56: {  	s31 =	sadd.s32 s22, s12;
	[sflag:s16] =	ssyncadd.s32 $0xFFFFFF80  }
0x57: {  	[tilespmem:s17], [sflag:$0x2] =	stream.linear.gather [hbm4b:s31+s3], $0x80, $0x38;
	[tilespmem:$0x18100] =	vst v63  }
0x58: {  	_ =	swait.ge [sflag:s16], $0x80  }
0x59: {  	[sflag:s16] =	ssyncset.done $0x0  }
0x5a: {  	[sflag:s16] =	ssyncadd.s32 $0xFFFFFF80  }
0x5b: {  	[tilespmem:s15], [sflag:$0x1] =	stream.indirect.gather [hbm4b:s4+s17], $0x80, s3, s17, $0xb8;
	[tilespmem:$0x18100] =	vst v63  }
0x5c: {  	_ =	swait.ge [sflag:s18], $0x4000  }
0x5d: {  	[sflag:s18] =	ssyncset.done $0x0  }
0x5e: {  	[sflag:s18] =	ssyncadd.s32 $0xFFFFC000  }
0x5f: {  	[spmem:s2] =	stream.indirect.scatter.add.f32 [tilespmem:s15], [sflag:$0x2], $0x80, s17, s17, $0xb8;
	[tilespmem:$0x18100] =	vst v63  }
0x60: {  	_ =	swait.ge [sflag:s16], $0x4000  }
0x61: {  	s21 =	sadd.s32 $0x1, s21;
	[sflag:s16] =	ssyncset.done $0x0  }
0x62: {  	p0 =	sne.s32 s21, s14;
	[sflag:s16] =	ssyncadd.s32 $0xFFFFC000  }
.Ltmp1:
0x63: {  	[bflag:$0x0] =	sbarrier.arrive $0xFFFF;
	(pc) =	sbr.rel @p0 .LBB2_1-.Ltmp1, $4  }
0x64: {  	[hbm:s13], [sflag:s19] =	dma.local [spmem:s20], $0x2800  }
0x65: {  	_ =	swait.ge [sflag:s16], $0x2800  }
0x66: {  	[sflag:s16] =	ssyncset.done $0x0  }
0x67: {  	[sflag:s16] =	ssyncadd.s32 $0xFFFFD800  }
0x68: {  	_ =	sfence.sel $0x180000  }
0x69: {  	[bflag:$0x0] =	sbarrier.arrive $0xFFFF  }
0x6a: {  	p0 =	sne.s32 s0, $0x0;
	_ =	strace $0x9000004A  }
0x6b: {  	s0 =	sadd.s32 @!p0 $0x100000, s1;
	[bflag:$0x2] =	sbarrier.arrive $0xFFFF  }
0x6c: {  	[sflag:s0] =	ssyncadd.tile.s32 @!p0 $0x1;
	_ =	shalt  }
.Lfunc_end2:
_tile_overlayer_lowered:
.L_overlay_start_2:
0x6d: {  	(tag) =	ssettag $0x2  }
0x6e: {  	s0 =	rddreg [dreg:$0x0];
	s2 =	stileid.u32  }
0x6f: {  	s1 =	rddreg [dreg:$0x1];
	p0 =	sne.s32 s2, $0x0  }
0x70: {  	s3 =	rddreg [dreg:$0x2];
	[bflag:$0x3] =	sbarrier.arrive $0xFFFF;
	s2 =	simm.s32 @!p0 $0x1C02  }
0x71: {  	[timem:s3], [sflag:s2] =	dma.local @!p0 [hbm:s0], s1  }
0x72: {  	s0 =	simm.s32 @!p0 $0x2  }
0x73: {  	_ =	swait.ge @!p0 [sflag:s0], s1  }
0x74: {  	s1 =	ssub.s32 @!p0 $0x0, s1;
	[sflag:s0] =	ssyncset.done @!p0 $0x0  }
0x75: {  	[sflag:s0] =	ssyncadd.s32 @!p0 s1  }
0x76: {  	[bflag:$0x3] =	sbarrier.arrive $0xFFFF  }
0x77: {  	_ =	shalt  }

// kernel: kernel.15.cloned.1.call-start
scs
__scs_entry_jumppad:
0x0: {  	(pc) =	sbr.rel $0x88, $3  }
0x1: {  	(tag) =	ssettag $0x0;
	lr =	simm.s32 $0x1  }
0x2: {  	[smem:$0x3F99] =	sst lr;
	_ =	strace $0xD0000000  }
0x3: {  	_ = 	snop  }
0x4: {  	_ = 	snop  }
0x5: {  	_ = 	snop  }
0x6: {  	_ = 	snop  }
0x7: {  	_ = 	snop  }
__scs_overlays_trampoline_lowered:
0x8: {  	[smem:$0x3FA8] =	sst s0  }
0x9: {  	[smem:$0x3FA9] =	sst s1  }
0xa: {  	[smem:$0x3FAA] =	sst s2  }
0xb: {  	[smem:$0x3FAB] =	sst s3  }
0xc: {  	[smem:$0x3FAC] =	sst s4  }
0xd: {  	[smem:$0x3FAD] =	sst s5  }
0xe: {  	[smem:$0x3FAE] =	sst s6  }
0xf: {  	[smem:$0x3FAF] =	sst s7  }
0x10: {  	[smem:$0x3FB0] =	sst s8  }
0x11: {  	[smem:$0x3FB1] =	sst s9;
	s0 =	simm.s32 @!p0 $0x0  }
0x12: {  	s1 =	sld [smem:$0x3F97];
	s0 =	simm.s32 @p0 $0x1  }
0x13: {  	[smem:$0x3FB2] =	sst s0;
	s0 =	simm.s32 @!p1 $0x0  }
0x14: {  	s2 =	sld [smem:$0x3F96];
	s0 =	simm.s32 @p1 $0x1  }
0x15: {  	[smem:$0x3FB3] =	sst s0;
	s0 =	simm.s32 @!p2 $0x0  }
0x16: {  	s3 =	sld [smem:$0x3FDB];
	s0 =	simm.s32 @p2 $0x1  }
0x17: {  	s4 =	simm.s32 $0x1BF5;
	[smem:$0x3FB5] =	sst s0  }
0x18: {  	s0 =	sld [smem:$0x3F98];
	_ =	swait.ge [sflag:s4], $0x0  }
0x19: {  	s7 =	sld [smem:$0x3F99]  }
0x1a: {  	s8 =	sadd.s32 $0xFFFFE003, lr  }
0x1b: {  	s9 =	sadd.s32 $0xFFFFFEF7, lr;
	s5 =	simm.s32 $0xFFFFFFFF;
	p2 =	slt.u32 s8, $0xFFFFF086  }
0x1c: {  	p1 =	slt.u32 s9, $0xF7A;
	s5 =	simm.s32 @!p2 $0x0  }
0x1d: {  	s5 =	simm.s32 @p1 $0x1;
	p0 =	seq.s32 s7, s2  }
0x1e: {  	s7 =	smul.u32 @!p0 $0xF7A, s2;
	p2 =	seq.s32 @!p0 s5, $0x0  }
0x1f: {  	s9 =	smul.u32 $0xF7A, s1;
	s8 =	simm.s32 @!p0 $0x1BF5;
	p2 =	por !p2, p0  }
0x20: {  	[sflag:s8] =	ssyncset.s32 @!p0 $0xFFFFF086;
	s6 =	sadd.s32 @!p0 s3, s7;
	s7 =	simm.s32 @!p0 $0x108  }
0x21: {  	s3 =	sadd.s32 s3, s9;
	s6 =	sadd.s32 @!p0 $0x88, s6;
	s7 =	simm.s32 @p2 $0x1082  }
0x22: {  	[simem:s7], [sflag:s8] =	dma.local @!p0 [hbm:s6], $0xF7A  }
0x23: {  	s9 =	sor.u32 $0xD0000000, s2;
	s6 =	simm.s32 $0x108;
	_ =	swait.ge @!p0 [sflag:s8], $0x0  }
0x24: {  	s3 =	sadd.s32 $0x88, s3;
	s6 =	simm.s32 @!p1 $0x1082;
	[sflag:s4] =	ssyncset.s32 $0xFFFFF086  }
0x25: {  	[simem:s6], [sflag:s4] =	dma.local [hbm:s3], $0xF7A  }
0x26: {  	[smem:$0x3F99] =	sst s1;
	(tag) =	ssettag s2;
	_ =	strace s9  }
0x27: {  	s1 =	sld [smem:$0x3FA9]  }
0x28: {  	s2 =	sld [smem:$0x3FAA]  }
0x29: {  	s4 =	sld [smem:$0x3FAC]  }
0x2a: {  	p0 =	seq.s32 s5, $0x0;
	s5 =	sld [smem:$0x3FAD]  }
0x2b: {  	s6 =	sld [smem:$0x3FAE]  }
0x2c: {  	s7 =	sld [smem:$0x3FAF]  }
0x2d: {  	s3 =	simm.s32 $0x108;
	s8 =	sld [smem:$0x3FB0]  }
0x2e: {  	s3 =	simm.s32 @!p0 $0x1082;
	s9 =	sld [smem:$0x3FB1]  }
0x2f: {  	lr =	sadd.s32 s0, s3;
	s0 =	sld [smem:$0x3FA8]  }
0x30: {  	s3 =	sld [smem:$0x3FAB]  }
0x31: {  	[smem:$0x3FB4] =	sst s10  }
0x32: {  	s10 =	sld [smem:$0x3FB2];
	_ =	sdelay $0x3  }
0x33: {  	p0 =	seq.s32 s10, $0x1;
	s10 =	sld [smem:$0x3FB4];
	_ =	sdelay $0x3  }
0x34: {  	[smem:$0x3FB4] =	sst s10  }
0x35: {  	s10 =	sld [smem:$0x3FB3];
	_ =	sdelay $0x3  }
0x36: {  	p1 =	seq.s32 s10, $0x1;
	s10 =	sld [smem:$0x3FB4];
	_ =	sdelay $0x3  }
0x37: {  	[smem:$0x3FB4] =	sst s10  }
0x38: {  	s10 =	sld [smem:$0x3FB5]  }
0x39: {  	_ = 	snop;
	(pc) =	sbr.ind lr, $3  }
0x3a: {  	_ = 	snop  }
0x3b: {  	_ = 	snop  }
0x3c: {  	p2 =	seq.s32 s10, $0x1;
	s10 =	sld [smem:$0x3FB4]  }
0x3d: {  	_ =	shalt  }
0x3e: {  	_ =	shalt  }
0x3f: {  	_ =	shalt  }
0x40: {  	_ =	shalt  }
0x41: {  	_ =	shalt  }
0x42: {  	_ =	shalt  }
0x43: {  	_ =	shalt  }
0x44: {  	_ =	shalt  }
0x45: {  	_ =	shalt  }
0x46: {  	_ =	shalt  }
0x47: {  	_ =	shalt  }
0x48: {  	_ =	shalt  }
0x49: {  	_ =	shalt  }
0x4a: {  	_ =	shalt  }
0x4b: {  	_ =	shalt  }
0x4c: {  	_ =	shalt  }
0x4d: {  	_ =	shalt  }
0x4e: {  	_ =	shalt  }
0x4f: {  	_ =	shalt  }
0x50: {  	_ =	shalt  }
0x51: {  	_ =	shalt  }
0x52: {  	_ =	shalt  }
0x53: {  	_ =	shalt  }
0x54: {  	_ =	shalt  }
0x55: {  	_ =	shalt  }
0x56: {  	_ =	shalt  }
0x57: {  	_ =	shalt  }
0x58: {  	_ =	shalt  }
0x59: {  	_ =	shalt  }
0x5a: {  	_ =	shalt  }
0x5b: {  	_ =	shalt  }
0x5c: {  	_ =	shalt  }
0x5d: {  	_ =	shalt  }
0x5e: {  	_ =	shalt  }
0x5f: {  	_ =	shalt  }
0x60: {  	_ =	shalt  }
0x61: {  	_ =	shalt  }
0x62: {  	_ =	shalt  }
0x63: {  	_ =	shalt  }
0x64: {  	_ =	shalt  }
0x65: {  	_ =	shalt  }
0x66: {  	_ =	shalt  }
0x67: {  	_ =	shalt  }
0x68: {  	_ =	shalt  }
0x69: {  	_ =	shalt  }
0x6a: {  	_ =	shalt  }
0x6b: {  	_ =	shalt  }
0x6c: {  	_ =	shalt  }
0x6d: {  	_ =	shalt  }
0x6e: {  	_ =	shalt  }
0x6f: {  	_ =	shalt  }
0x70: {  	_ =	shalt  }
0x71: {  	_ =	shalt  }
0x72: {  	_ =	shalt  }
0x73: {  	_ =	shalt  }
0x74: {  	_ =	shalt  }
0x75: {  	_ =	shalt  }
0x76: {  	_ =	shalt  }
0x77: {  	_ =	shalt  }
0x78: {  	_ =	shalt  }
0x79: {  	_ =	shalt  }
0x7a: {  	_ =	shalt  }
0x7b: {  	_ =	shalt  }
0x7c: {  	_ =	shalt  }
0x7d: {  	_ =	shalt  }
0x7e: {  	_ =	shalt  }
0x7f: {  	_ =	shalt  }
0x80: {  	_ =	shalt  }
0x81: {  	_ =	shalt  }
0x82: {  	_ =	shalt  }
0x83: {  	_ =	shalt  }
0x84: {  	_ =	shalt  }
0x85: {  	_ =	shalt  }
0x86: {  	_ =	shalt  }
0x87: {  	_ =	shalt  }
.Lfunc_end0:
.L_simem_size_0:
called_computation.2_lowered:
.L_overlay_start_0:
0x88: {  	s2 =	sld [smem:$0x3FD9]  }
0x89: {  	s3 =	sld [smem:$0x3FFE];
	_ =	sdelay $0x1  }
0x8a: {  	s1 =	srdreg.scid  }
0x8b: {  	s0 =	sand.u32 $0x1, s1  }
0x8c: {  	s17 =	sshll.u32 s0, $0xA;
	s2 =	sadd.s32 s3, s2  }
0x8d: {  	s2 =	sadd.s32 s2, s17  }
0x8e: {  	[smem:$0x3FC0] =	sst s2  }
0x8f: {  	_ = 	snop  }
0x90: {  	s2 =	sld [smem:$0x3FD0];
	(tm) =	ssettm $0x1  }
0x91: {  	s18 =	sld [smem:$0x3FFB];
	_ =	sdelay $0x3  }
0x92: {  	_ =	strace s18  }
0x93: {  	s3 =	sld [smem:$0x3FFC];
	_ =	sdelay $0x3  }
0x94: {  	_ =	strace s3  }
0x95: {  	s3 =	sld [smem:$0x3FFD];
	_ =	sdelay $0x3  }
0x96: {  	_ =	strace s3  }
0x97: {  	_ =	strace $0x8FFFFFFF  }
0x98: {  	s19 =	sld [smem:$0x3FDB];
	_ =	sdelay $0x1  }
0x99: {  	s4 =	simm.s32 $_scs_section_size  }
0x9a: {  	s5 =	simm.s32 $_size__tile_overlayer_lowered;
	s6 =	simm.s32 $_tile_overlayer_lowered  }
0x9b: {  	s22 =	simm.s32 $0x1BFF;
	s21 =	sshll.u32 s6, $0x1;
	s3 =	sadd.s32 s4, s19  }
0x9c: {  	s7 =	simm.s32 $0x0;
	s20 =	sshll.u32 s5, $0x1;
	s5 =	sadd.s32 s21, s3  }
0x9d: {  	[timem:s7], [sflag:s22] =	dma.local [hbm:s5], s20  }
0x9e: {  	_ =	swait.ge [sflag:s22], s20  }
0x9f: {  	s4 =	ssub.s32 $0x0, s20;
	[sflag:s22] =	ssyncset.done $0x0  }
0xa0: {  	[sflag:s22] =	ssyncadd.s32 s4;
	_ =	sdelay $0x1  }
0xa1: {  	s23 =	simm.s32 $0x1B8B  }
0xa2: {  	_ =	swait.ge [sflag:s23], $0x1  }
0xa3: {  	[sflag:s23] =	ssyncset.done $0x0  }
0xa4: {  	s25 =	simm.s32 $0x1B8E;
	s24 =	sld [smem:$0x3FFE];
	[sflag:s23] =	ssyncadd.s32 $0xFFFFFFFF  }
0xa5: {  	s26 =	simm.s32 $execute0_lowered;
	[smem:$0x3FD2] =	sst s25  }
0xa6: {  	s5 =	sshll.u32 s26, $0x1;
	_ =	strace $0x8000004C;
	[dreg:$0x1] =	wrdreg $0xFFFFFFFF  }
0xa7: {  	s28 =	simm.s32 $_size_execute0_lowered;
	s3 =	sadd.s32 s3, s5;
	[dreg:$0x0] =	wrdreg $0x0  }
0xa8: {  	s5 =	sshll.u32 s28, $0x1;
	[dreg:$0x2] =	wrdreg s3  }
0xa9: {  	[dreg:$0x3] =	wrdreg s5  }
0xaa: {  	[dreg:$0x4] =	wrdreg $0xC0  }
0xab: {  	_ =	task [dreg:s7], $0x5FFFF  }
0xac: {  	[dreg:$0x1] =	wrdreg $0xFFFFFFFF  }
0xad: {  	[dreg:$0x0] =	wrdreg $0x60  }
0xae: {  	[dreg:$0x2] =	wrdreg s24  }
0xaf: {  	[dreg:$0x3] =	wrdreg s2  }
0xb0: {  	[dreg:$0x4] =	wrdreg $0x41000  }
0xb1: {  	[dreg:$0x5] =	wrdreg $0x9  }
0xb2: {  	_ =	task.clear_ibuf [dreg:s7], $0x6FFFF;
	_ =	strace $0x9000004C  }
0xb3: {  	s29 =	simm.s32 $0x9;
	_ =	strace $0x8000004E  }
0xb4: {  	_ =	swait.ge [sflag:s29], $0x1  }
0xb5: {  	[sflag:s29] =	ssyncadd.s32 $0xFFFFFFFF  }
0xb6: {  	_ =	strace $0x9000004E  }
0xb7: {  	_ =	sfence  }
0xb8: {  	s30 =	sld [smem:$0x0];
	_ =	sdelay $0x2  }
0xb9: {  	s31 =	sshll.u32 s1, $0xD;
	s1 =	sshrl.u32 s1, $0x2  }
0xba: {  	s3 =	sand.u32 $0x4000, s31;
	s1 =	sadd.s32 s1, s30  }
0xbb: {  	s0 =	sor.u32 s3, s0;
	s1 =	sshll.u32 s1, $0x11  }
0xbc: {  	s0 =	sor.u32 s1, s0  }
0xbd: {  	s0 =	sadd.s32 $0x8F2B, s0  }
0xbe: {  	[sflag:s0] =	ssyncadd.remote.s32 $0x1  }
0xbf: {  	_ =	sfence.sel $0xFFFF  }
0xc0: {  	[dreg:$0x0] =	wrdreg $0xFFFFFFFF;
	(pc) =	sbr.abs _section_cstart, $3  }
0xc1: {  	[dreg:$0x1] =	wrdreg $0xFFFFFFFF  }
0xc2: {  	_ =	task.clear_ibuf [dreg:s7], $0x2FFFF;
	_ =	strace $0x9FFFFFFF  }
0xc3: {  	(tm) =	ssettm $0x7FFFFFFF  }
tec
execute0_lowered:
.L_overlay_start_1:
0x0: {  	(tag) =	ssettag $0x1  }
0x1: {  	s7 =	rddreg [dreg:$0x0]  }
0x2: {  	s11 =	rddreg [dreg:$0x1]  }
0x3: {  	s2 =	rddreg [dreg:$0x2];
	s0 =	stileid.u32  }
0x4: {  	s3 =	srdreg.scid;
	s1 =	rddreg [dreg:$0x3];
	s16 =	simm.s32 $0x2  }
0x5: {  	s17 =	simm.s32 $0x80;
	s18 =	simm.s32 $0x1;
	s21 =	simm.s32 $0x0  }
0x6: {  	s6 =	smul.u32 $0x2800, s0;
	s8 =	sand.u32 $0x1, s3;
	s3 =	simm.s32 $0x0  }
0x7: {  	s9 =	smul.u32 $0x50000, s0;
	s5 =	sadd.s32 $0xD000, s7;
	s19 =	sshll.u32 s0, $0x6  }
0x8: {  	p0 =	seq.s32 s8, $0x0;
	[smem:$0x7FF] =	sst s3;
	s10 =	smul.u32 $0x28000, s8  }
0x9: {  	s8 =	ssub.s32 $0x2, s8;
	s19 =	sor.u32 $0x1C02, s19;
	s4 =	sadd.s32 $0x28000, s6  }
0xa: {  	_ =	strace $0x8000004D;
	s9 =	sshrl.u32 s9, $0x2;
	s14 =	sshrl.u32 s8, $0x1  }
0xb: {  	s4 =	smov.u32 @p0 s6;
	s10 =	sadd.s32 s6, s10;
	s6 =	sadd.s32 s9, s2  }
0xc: {  	s14 =	ssub.s32 s8, s14;
	s12 =	sshrl.u32 s4, $0x3;
	s4 =	sadd.s32 $0xD800, s7  }
0xd: {  	s15 =	sadd.s32 s10, s7;
	s8 =	sadd.s32 $0x8000, s6;
	s9 =	sadd.s32 $0xC000, s6  }
0xe: {  	s10 =	sadd.s32 $0x10000, s6;
	s14 =	smax.u32 s14, $0x1;
	s20 =	sshrl.u32 s6, $0x3  }
0xf: {  	s13 =	sadd.s32 s12, s7;
	s7 =	sadd.s32 $0x4000, s6;
	s11 =	sadd.s32 s11, s12  }
0x10: {  	s12 =	sadd.s32 $0x3000, s13;
	s13 =	sadd.s32 $0x35800, s15;
	s15 =	simm.s32 $0x100  }
.LBB2_1:
0x11: {  	[tilespmem:s15], [sflag:$0x2] =	stream.linear.gather [hbm4b:s5+s3], $0x4000, $0x38;
	[tilespmem:$0x18100] =	vst v63  }
0x12: {  	_ =	swait.ge [sflag:s16], $0x4000  }
0x13: {  	[sflag:s16] =	ssyncset.done $0x0  }
0x14: {  	[sflag:s16] =	ssyncadd.s32 $0xFFFFC000  }
0x15: {  	[spmem:s6] =	stream.linear.scatter [tilespmem:s15], [sflag:$0x2], $0x4000, $0x38;
	[tilespmem:$0x18100] =	vst v63  }
0x16: {  	_ =	swait.ge [sflag:s16], $0x4000  }
0x17: {  	[sflag:s16] =	ssyncset.done $0x0  }
0x18: {  	[sflag:s16] =	ssyncadd.s32 $0xFFFFC000  }
0x19: {  	[spmem:s7] =	stream.linear.scatter [tilespmem:s15], [sflag:$0x2], $0x4000, $0x38;
	[tilespmem:$0x18100] =	vst v63  }
0x1a: {  	_ =	swait.ge [sflag:s16], $0x4000  }
0x1b: {  	[sflag:s16] =	ssyncset.done $0x0  }
0x1c: {  	[sflag:s16] =	ssyncadd.s32 $0xFFFFC000  }
0x1d: {  	[spmem:s8] =	stream.linear.scatter [tilespmem:s15], [sflag:$0x2], $0x4000, $0x38;
	[tilespmem:$0x18100] =	vst v63  }
0x1e: {  	_ =	swait.ge [sflag:s16], $0x4000  }
0x1f: {  	[sflag:s16] =	ssyncset.done $0x0  }
0x20: {  	[sflag:s16] =	ssyncadd.s32 $0xFFFFC000  }
0x21: {  	[spmem:s9] =	stream.linear.scatter [tilespmem:s15], [sflag:$0x2], $0x4000, $0x38;
	[tilespmem:$0x18100] =	vst v63  }
0x22: {  	_ =	swait.ge [sflag:s16], $0x4000  }
0x23: {  	[sflag:s16] =	ssyncset.done $0x0  }
0x24: {  	[sflag:s16] =	ssyncadd.s32 $0xFFFFC000  }
0x25: {  	[spmem:s10] =	stream.linear.scatter [tilespmem:s15], [sflag:$0x2], $0x4000, $0x38;
	[tilespmem:$0x18100] =	vst v63  }
0x26: {  	_ =	swait.ge [sflag:s16], $0x4000  }
0x27: {  	[sflag:s16] =	ssyncset.done $0x0  }
0x28: {  	[sflag:s16] =	ssyncadd.s32 $0xFFFFC000  }
0x29: {  	[tilespmem:s3], [sflag:$0x2] =	stream.linear.gather [hbm4b:s11+s3], $0x80, $0x38;
	[tilespmem:$0x18100] =	vst v63  }
0x2a: {  	_ =	swait.ge [sflag:s16], $0x80  }
0x2b: {  	[sflag:s16] =	ssyncset.done $0x0  }
0x2c: {  	[sflag:s16] =	ssyncadd.s32 $0xFFFFFF80  }
0x2d: {  	[tilespmem:s17], [sflag:$0x2] =	stream.linear.gather [hbm4b:s12+s3], $0x80, $0x38;
	[tilespmem:$0x18100] =	vst v63  }
0x2e: {  	_ =	swait.ge [sflag:s16], $0x80  }
0x2f: {  	[sflag:s16] =	ssyncset.done $0x0  }
0x30: {  	[sflag:s16] =	ssyncadd.s32 $0xFFFFFF80  }
0x31: {  	s22 =	sadd.s32 $0x0, s11;
	[bflag:$0x0] =	sbarrier.arrive $0xFFFF  }
0x32: {  	[tilespmem:s3], [sflag:$0x2] =	stream.linear.gather [hbm4b:s22+s3], $0x80, $0x38;
	[tilespmem:$0x18100] =	vst v63  }
0x33: {  	_ =	swait.ge [sflag:s16], $0x80  }
0x34: {  	[sflag:s16] =	ssyncset.done $0x0  }
0x35: {  	s31 =	sadd.s32 $0x0, s12;
	[sflag:s16] =	ssyncadd.s32 $0xFFFFFF80  }
0x36: {  	[tilespmem:s17], [sflag:$0x2] =	stream.linear.gather [hbm4b:s31+s3], $0x80, $0x38;
	[tilespmem:$0x18100] =	vst v63  }
0x37: {  	_ =	swait.ge [sflag:s16], $0x80  }
0x38: {  	[sflag:s16] =	ssyncset.done $0x0  }
0x39: {  	[sflag:s16] =	ssyncadd.s32 $0xFFFFFF80  }
0x3a: {  	[tilespmem:s15], [sflag:$0x1] =	stream.indirect.gather [hbm4b:s4+s17], $0x80, s3, s17, $0xb8;
	[tilespmem:$0x18100] =	vst v63  }
0x3b: {  	_ =	swait.ge [sflag:s18], $0x4000  }
0x3c: {  	[sflag:s18] =	ssyncset.done $0x0  }
0x3d: {  	[sflag:s18] =	ssyncadd.s32 $0xFFFFC000  }
0x3e: {  	[spmem:s2] =	stream.indirect.scatter.add.f32 [tilespmem:s15], [sflag:$0x2], $0x80, s17, s17, $0xb8;
	[tilespmem:$0x18100] =	vst v63  }
0x3f: {  	_ =	swait.ge [sflag:s16], $0x4000  }
0x40: {  	s23 =	simm.s32 $0x20;
	s22 =	simm.s32 $0x10;
	[sflag:s16] =	ssyncset.done $0x0  }
.LBB2_2:
0x41: {  	s24 =	sadd.s32 s22, s11  }
0x42: {  	[sflag:s16] =	ssyncadd.s32 $0xFFFFC000;
	s25 =	smov.u32 s23;
	s26 =	sadd.s32 $0x10, s23  }
0x43: {  	[tilespmem:s3], [sflag:$0x2] =	stream.linear.gather [hbm4b:s24+s3], $0x80, $0x38;
	[tilespmem:$0x18100] =	vst v63  }
0x44: {  	p0 =	sne.s32 s23, $0x4F0;
	_ =	swait.ge [sflag:s16], $0x80  }
0x45: {  	[sflag:s16] =	ssyncset.done $0x0  }
0x46: {  	s23 =	sadd.s32 s22, s12;
	s22 =	smov.u32 s25;
	[sflag:s16] =	ssyncadd.s32 $0xFFFFFF80  }
0x47: {  	[tilespmem:s17], [sflag:$0x2] =	stream.linear.gather [hbm4b:s23+s3], $0x80, $0x38;
	[tilespmem:$0x18100] =	vst v63  }
0x48: {  	_ =	swait.ge [sflag:s16], $0x80  }
0x49: {  	[sflag:s16] =	ssyncset.done $0x0  }
0x4a: {  	[sflag:s16] =	ssyncadd.s32 $0xFFFFFF80  }
0x4b: {  	[tilespmem:s15], [sflag:$0x1] =	stream.indirect.gather [hbm4b:s4+s17], $0x80, s3, s17, $0xb8;
	[tilespmem:$0x18100] =	vst v63  }
0x4c: {  	_ =	swait.ge [sflag:s18], $0x4000  }
.Ltmp0:
0x4d: {  	[sflag:s18] =	ssyncset.done $0x0;
	(pc) =	sbr.rel @p0 .LBB2_2-.Ltmp0, $4  }
0x4e: {  	[sflag:s18] =	ssyncadd.s32 $0xFFFFC000  }
0x4f: {  	[spmem:s2] =	stream.indirect.scatter.add.f32 [tilespmem:s15], [sflag:$0x2], $0x80, s17, s17, $0xb8;
	[tilespmem:$0x18100] =	vst v63  }
0x50: {  	_ =	swait.ge [sflag:s16], $0x4000  }
0x51: {  	s23 =	smov.u32 s26;
	[sflag:s16] =	ssyncset.done $0x0  }
0x52: {  	s23 =	sadd.s32 s22, s11;
	[sflag:s16] =	ssyncadd.s32 $0xFFFFC000  }
0x53: {  	[tilespmem:s3], [sflag:$0x2] =	stream.linear.gather [hbm4b:s23+s3], $0x80, $0x38;
	[tilespmem:$0x18100] =	vst v63  }
0x54: {  	_ =	swait.ge [sflag:s16], $0x80  }
0x55: {  	[sflag:s16] =	ssyncset.done $0x0  }
0x56: {  	s31 =	sadd.s32 s22, s12;
	[sflag:s16] =	ssyncadd.s32 $0xFFFFFF80  }
0x57: {  	[tilespmem:s17], [sflag:$0x2] =	stream.linear.gather [hbm4b:s31+s3], $0x80, $0x38;
	[tilespmem:$0x18100] =	vst v63  }
0x58: {  	_ =	swait.ge [sflag:s16], $0x80  }
0x59: {  	[sflag:s16] =	ssyncset.done $0x0  }
0x5a: {  	[sflag:s16] =	ssyncadd.s32 $0xFFFFFF80  }
0x5b: {  	[tilespmem:s15], [sflag:$0x1] =	stream.indirect.gather [hbm4b:s4+s17], $0x80, s3, s17, $0xb8;
	[tilespmem:$0x18100] =	vst v63  }
0x5c: {  	_ =	swait.ge [sflag:s18], $0x4000  }
0x5d: {  	[sflag:s18] =	ssyncset.done $0x0  }
0x5e: {  	[sflag:s18] =	ssyncadd.s32 $0xFFFFC000  }
0x5f: {  	[spmem:s2] =	stream.indirect.scatter.add.f32 [tilespmem:s15], [sflag:$0x2], $0x80, s17, s17, $0xb8;
	[tilespmem:$0x18100] =	vst v63  }
0x60: {  	_ =	swait.ge [sflag:s16], $0x4000  }
0x61: {  	s21 =	sadd.s32 $0x1, s21;
	[sflag:s16] =	ssyncset.done $0x0  }
0x62: {  	p0 =	sne.s32 s21, s14;
	[sflag:s16] =	ssyncadd.s32 $0xFFFFC000  }
.Ltmp1:
0x63: {  	[bflag:$0x0] =	sbarrier.arrive $0xFFFF;
	(pc) =	sbr.rel @p0 .LBB2_1-.Ltmp1, $4  }
0x64: {  	[hbm:s13], [sflag:s19] =	dma.local [spmem:s20], $0x2800  }
0x65: {  	_ =	swait.ge [sflag:s16], $0x2800  }
0x66: {  	[sflag:s16] =	ssyncset.done $0x0  }
0x67: {  	[sflag:s16] =	ssyncadd.s32 $0xFFFFD800  }
0x68: {  	_ =	sfence.sel $0x180000  }
0x69: {  	[bflag:$0x0] =	sbarrier.arrive $0xFFFF  }
0x6a: {  	p0 =	sne.s32 s0, $0x0;
	_ =	strace $0x9000004D  }
0x6b: {  	s0 =	sadd.s32 @!p0 $0x100000, s1;
	[bflag:$0x2] =	sbarrier.arrive $0xFFFF  }
0x6c: {  	[sflag:s0] =	ssyncadd.tile.s32 @!p0 $0x1;
	_ =	shalt  }
.Lfunc_end2:
_tile_overlayer_lowered:
.L_overlay_start_2:
0x6d: {  	(tag) =	ssettag $0x2  }
0x6e: {  	s0 =	rddreg [dreg:$0x0];
	s2 =	stileid.u32  }
0x6f: {  	s1 =	rddreg [dreg:$0x1];
	p0 =	sne.s32 s2, $0x0  }
0x70: {  	s3 =	rddreg [dreg:$0x2];
	[bflag:$0x3] =	sbarrier.arrive $0xFFFF;
	s2 =	simm.s32 @!p0 $0x1C02  }
0x71: {  	[timem:s3], [sflag:s2] =	dma.local @!p0 [hbm:s0], s1  }
0x72: {  	s0 =	simm.s32 @!p0 $0x2  }
0x73: {  	_ =	swait.ge @!p0 [sflag:s0], s1  }
0x74: {  	s1 =	ssub.s32 @!p0 $0x0, s1;
	[sflag:s0] =	ssyncset.done @!p0 $0x0  }
0x75: {  	[sflag:s0] =	ssyncadd.s32 @!p0 s1  }
0x76: {  	[bflag:$0x3] =	sbarrier.arrive $0xFFFF  }
0x77: {  	_ =	shalt  }

// kernel: kernel.9.cloned.1.call-start
scs
__scs_entry_jumppad:
0x0: {  	(pc) =	sbr.rel $0x88, $3  }
0x1: {  	(tag) =	ssettag $0x0;
	lr =	simm.s32 $0x1  }
0x2: {  	[smem:$0x3F99] =	sst lr;
	_ =	strace $0xD0000000  }
0x3: {  	_ = 	snop  }
0x4: {  	_ = 	snop  }
0x5: {  	_ = 	snop  }
0x6: {  	_ = 	snop  }
0x7: {  	_ = 	snop  }
__scs_overlays_trampoline_lowered:
0x8: {  	[smem:$0x3FA8] =	sst s0  }
0x9: {  	[smem:$0x3FA9] =	sst s1  }
0xa: {  	[smem:$0x3FAA] =	sst s2  }
0xb: {  	[smem:$0x3FAB] =	sst s3  }
0xc: {  	[smem:$0x3FAC] =	sst s4  }
0xd: {  	[smem:$0x3FAD] =	sst s5  }
0xe: {  	[smem:$0x3FAE] =	sst s6  }
0xf: {  	[smem:$0x3FAF] =	sst s7  }
0x10: {  	[smem:$0x3FB0] =	sst s8  }
0x11: {  	[smem:$0x3FB1] =	sst s9;
	s0 =	simm.s32 @!p0 $0x0  }
0x12: {  	s1 =	sld [smem:$0x3F97];
	s0 =	simm.s32 @p0 $0x1  }
0x13: {  	[smem:$0x3FB2] =	sst s0;
	s0 =	simm.s32 @!p1 $0x0  }
0x14: {  	s2 =	sld [smem:$0x3F96];
	s0 =	simm.s32 @p1 $0x1  }
0x15: {  	[smem:$0x3FB3] =	sst s0;
	s0 =	simm.s32 @!p2 $0x0  }
0x16: {  	s3 =	sld [smem:$0x3FDB];
	s0 =	simm.s32 @p2 $0x1  }
0x17: {  	s4 =	simm.s32 $0x1BF5;
	[smem:$0x3FB5] =	sst s0  }
0x18: {  	s0 =	sld [smem:$0x3F98];
	_ =	swait.ge [sflag:s4], $0x0  }
0x19: {  	s7 =	sld [smem:$0x3F99]  }
0x1a: {  	s8 =	sadd.s32 $0xFFFFE003, lr  }
0x1b: {  	s9 =	sadd.s32 $0xFFFFFEF7, lr;
	s5 =	simm.s32 $0xFFFFFFFF;
	p2 =	slt.u32 s8, $0xFFFFF086  }
0x1c: {  	p1 =	slt.u32 s9, $0xF7A;
	s5 =	simm.s32 @!p2 $0x0  }
0x1d: {  	s5 =	simm.s32 @p1 $0x1;
	p0 =	seq.s32 s7, s2  }
0x1e: {  	s7 =	smul.u32 @!p0 $0xF7A, s2;
	p2 =	seq.s32 @!p0 s5, $0x0  }
0x1f: {  	s9 =	smul.u32 $0xF7A, s1;
	s8 =	simm.s32 @!p0 $0x1BF5;
	p2 =	por !p2, p0  }
0x20: {  	[sflag:s8] =	ssyncset.s32 @!p0 $0xFFFFF086;
	s6 =	sadd.s32 @!p0 s3, s7;
	s7 =	simm.s32 @!p0 $0x108  }
0x21: {  	s3 =	sadd.s32 s3, s9;
	s6 =	sadd.s32 @!p0 $0x88, s6;
	s7 =	simm.s32 @p2 $0x1082  }
0x22: {  	[simem:s7], [sflag:s8] =	dma.local @!p0 [hbm:s6], $0xF7A  }
0x23: {  	s9 =	sor.u32 $0xD0000000, s2;
	s6 =	simm.s32 $0x108;
	_ =	swait.ge @!p0 [sflag:s8], $0x0  }
0x24: {  	s3 =	sadd.s32 $0x88, s3;
	s6 =	simm.s32 @!p1 $0x1082;
	[sflag:s4] =	ssyncset.s32 $0xFFFFF086  }
0x25: {  	[simem:s6], [sflag:s4] =	dma.local [hbm:s3], $0xF7A  }
0x26: {  	[smem:$0x3F99] =	sst s1;
	(tag) =	ssettag s2;
	_ =	strace s9  }
0x27: {  	s1 =	sld [smem:$0x3FA9]  }
0x28: {  	s2 =	sld [smem:$0x3FAA]  }
0x29: {  	s4 =	sld [smem:$0x3FAC]  }
0x2a: {  	p0 =	seq.s32 s5, $0x0;
	s5 =	sld [smem:$0x3FAD]  }
0x2b: {  	s6 =	sld [smem:$0x3FAE]  }
0x2c: {  	s7 =	sld [smem:$0x3FAF]  }
0x2d: {  	s3 =	simm.s32 $0x108;
	s8 =	sld [smem:$0x3FB0]  }
0x2e: {  	s3 =	simm.s32 @!p0 $0x1082;
	s9 =	sld [smem:$0x3FB1]  }
0x2f: {  	lr =	sadd.s32 s0, s3;
	s0 =	sld [smem:$0x3FA8]  }
0x30: {  	s3 =	sld [smem:$0x3FAB]  }
0x31: {  	[smem:$0x3FB4] =	sst s10  }
0x32: {  	s10 =	sld [smem:$0x3FB2];
	_ =	sdelay $0x3  }
0x33: {  	p0 =	seq.s32 s10, $0x1;
	s10 =	sld [smem:$0x3FB4];
	_ =	sdelay $0x3  }
0x34: {  	[smem:$0x3FB4] =	sst s10  }
0x35: {  	s10 =	sld [smem:$0x3FB3];
	_ =	sdelay $0x3  }
0x36: {  	p1 =	seq.s32 s10, $0x1;
	s10 =	sld [smem:$0x3FB4];
	_ =	sdelay $0x3  }
0x37: {  	[smem:$0x3FB4] =	sst s10  }
0x38: {  	s10 =	sld [smem:$0x3FB5]  }
0x39: {  	_ = 	snop;
	(pc) =	sbr.ind lr, $3  }
0x3a: {  	_ = 	snop  }
0x3b: {  	_ = 	snop  }
0x3c: {  	p2 =	seq.s32 s10, $0x1;
	s10 =	sld [smem:$0x3FB4]  }
0x3d: {  	_ =	shalt  }
0x3e: {  	_ =	shalt  }
0x3f: {  	_ =	shalt  }
0x40: {  	_ =	shalt  }
0x41: {  	_ =	shalt  }
0x42: {  	_ =	shalt  }
0x43: {  	_ =	shalt  }
0x44: {  	_ =	shalt  }
0x45: {  	_ =	shalt  }
0x46: {  	_ =	shalt  }
0x47: {  	_ =	shalt  }
0x48: {  	_ =	shalt  }
0x49: {  	_ =	shalt  }
0x4a: {  	_ =	shalt  }
0x4b: {  	_ =	shalt  }
0x4c: {  	_ =	shalt  }
0x4d: {  	_ =	shalt  }
0x4e: {  	_ =	shalt  }
0x4f: {  	_ =	shalt  }
0x50: {  	_ =	shalt  }
0x51: {  	_ =	shalt  }
0x52: {  	_ =	shalt  }
0x53: {  	_ =	shalt  }
0x54: {  	_ =	shalt  }
0x55: {  	_ =	shalt  }
0x56: {  	_ =	shalt  }
0x57: {  	_ =	shalt  }
0x58: {  	_ =	shalt  }
0x59: {  	_ =	shalt  }
0x5a: {  	_ =	shalt  }
0x5b: {  	_ =	shalt  }
0x5c: {  	_ =	shalt  }
0x5d: {  	_ =	shalt  }
0x5e: {  	_ =	shalt  }
0x5f: {  	_ =	shalt  }
0x60: {  	_ =	shalt  }
0x61: {  	_ =	shalt  }
0x62: {  	_ =	shalt  }
0x63: {  	_ =	shalt  }
0x64: {  	_ =	shalt  }
0x65: {  	_ =	shalt  }
0x66: {  	_ =	shalt  }
0x67: {  	_ =	shalt  }
0x68: {  	_ =	shalt  }
0x69: {  	_ =	shalt  }
0x6a: {  	_ =	shalt  }
0x6b: {  	_ =	shalt  }
0x6c: {  	_ =	shalt  }
0x6d: {  	_ =	shalt  }
0x6e: {  	_ =	shalt  }
0x6f: {  	_ =	shalt  }
0x70: {  	_ =	shalt  }
0x71: {  	_ =	shalt  }
0x72: {  	_ =	shalt  }
0x73: {  	_ =	shalt  }
0x74: {  	_ =	shalt  }
0x75: {  	_ =	shalt  }
0x76: {  	_ =	shalt  }
0x77: {  	_ =	shalt  }
0x78: {  	_ =	shalt  }
0x79: {  	_ =	shalt  }
0x7a: {  	_ =	shalt  }
0x7b: {  	_ =	shalt  }
0x7c: {  	_ =	shalt  }
0x7d: {  	_ =	shalt  }
0x7e: {  	_ =	shalt  }
0x7f: {  	_ =	shalt  }
0x80: {  	_ =	shalt  }
0x81: {  	_ =	shalt  }
0x82: {  	_ =	shalt  }
0x83: {  	_ =	shalt  }
0x84: {  	_ =	shalt  }
0x85: {  	_ =	shalt  }
0x86: {  	_ =	shalt  }
0x87: {  	_ =	shalt  }
.Lfunc_end0:
.L_simem_size_0:
called_computation_lowered:
.L_overlay_start_0:
0x88: {  	s2 =	sld [smem:$0x3FD9]  }
0x89: {  	s3 =	sld [smem:$0x3FFE];
	_ =	sdelay $0x1  }
0x8a: {  	s1 =	srdreg.scid  }
0x8b: {  	s0 =	sand.u32 $0x1, s1  }
0x8c: {  	s17 =	sshll.u32 s0, $0xA;
	s2 =	sadd.s32 s3, s2  }
0x8d: {  	s2 =	sadd.s32 s2, s17  }
0x8e: {  	[smem:$0x3FC0] =	sst s2  }
0x8f: {  	_ = 	snop  }
0x90: {  	s2 =	sld [smem:$0x3FD0];
	(tm) =	ssettm $0x1  }
0x91: {  	s18 =	sld [smem:$0x3FFB];
	_ =	sdelay $0x3  }
0x92: {  	_ =	strace s18  }
0x93: {  	s3 =	sld [smem:$0x3FFC];
	_ =	sdelay $0x3  }
0x94: {  	_ =	strace s3  }
0x95: {  	s3 =	sld [smem:$0x3FFD];
	_ =	sdelay $0x3  }
0x96: {  	_ =	strace s3  }
0x97: {  	_ =	strace $0x8FFFFFFF  }
0x98: {  	s19 =	sld [smem:$0x3FDB];
	_ =	sdelay $0x1  }
0x99: {  	s4 =	simm.s32 $_scs_section_size  }
0x9a: {  	s5 =	simm.s32 $_size__tile_overlayer_lowered;
	s6 =	simm.s32 $_tile_overlayer_lowered  }
0x9b: {  	s22 =	simm.s32 $0x1BFF;
	s21 =	sshll.u32 s6, $0x1;
	s3 =	sadd.s32 s4, s19  }
0x9c: {  	s7 =	simm.s32 $0x0;
	s20 =	sshll.u32 s5, $0x1;
	s5 =	sadd.s32 s21, s3  }
0x9d: {  	[timem:s7], [sflag:s22] =	dma.local [hbm:s5], s20  }
0x9e: {  	_ =	swait.ge [sflag:s22], s20  }
0x9f: {  	s4 =	ssub.s32 $0x0, s20;
	[sflag:s22] =	ssyncset.done $0x0  }
0xa0: {  	[sflag:s22] =	ssyncadd.s32 s4;
	_ =	sdelay $0x1  }
0xa1: {  	s23 =	simm.s32 $0x1B8B  }
0xa2: {  	_ =	swait.ge [sflag:s23], $0x1  }
0xa3: {  	[sflag:s23] =	ssyncset.done $0x0  }
0xa4: {  	s25 =	simm.s32 $0x1B8E;
	s24 =	sld [smem:$0x3FFE];
	[sflag:s23] =	ssyncadd.s32 $0xFFFFFFFF  }
0xa5: {  	s26 =	simm.s32 $execute0_lowered;
	[smem:$0x3FD2] =	sst s25  }
0xa6: {  	s5 =	sshll.u32 s26, $0x1;
	_ =	strace $0x80000046;
	[dreg:$0x1] =	wrdreg $0xFFFFFFFF  }
0xa7: {  	s28 =	simm.s32 $_size_execute0_lowered;
	s3 =	sadd.s32 s3, s5;
	[dreg:$0x0] =	wrdreg $0x0  }
0xa8: {  	s5 =	sshll.u32 s28, $0x1;
	[dreg:$0x2] =	wrdreg s3  }
0xa9: {  	[dreg:$0x3] =	wrdreg s5  }
0xaa: {  	[dreg:$0x4] =	wrdreg $0xC0  }
0xab: {  	_ =	task [dreg:s7], $0x5FFFF  }
0xac: {  	[dreg:$0x1] =	wrdreg $0xFFFFFFFF  }
0xad: {  	[dreg:$0x0] =	wrdreg $0x60  }
0xae: {  	[dreg:$0x2] =	wrdreg s2  }
0xaf: {  	[dreg:$0x3] =	wrdreg s24  }
0xb0: {  	[dreg:$0x4] =	wrdreg $0x5000  }
0xb1: {  	[dreg:$0x5] =	wrdreg $0x7800  }
0xb2: {  	[dreg:$0x6] =	wrdreg $0x9  }
0xb3: {  	_ =	task.clear_ibuf [dreg:s7], $0x7FFFF;
	_ =	strace $0x90000046  }
0xb4: {  	s29 =	simm.s32 $0x9;
	_ =	strace $0x80000048  }
0xb5: {  	_ =	swait.ge [sflag:s29], $0x1  }
0xb6: {  	[sflag:s29] =	ssyncadd.s32 $0xFFFFFFFF  }
0xb7: {  	_ =	strace $0x90000048  }
0xb8: {  	_ =	sfence  }
0xb9: {  	s30 =	sld [smem:$0x0];
	_ =	sdelay $0x2  }
0xba: {  	s31 =	sshll.u32 s1, $0xD;
	s1 =	sshrl.u32 s1, $0x2  }
0xbb: {  	s3 =	sand.u32 $0x4000, s31;
	s1 =	sadd.s32 s1, s30  }
0xbc: {  	s0 =	sor.u32 s3, s0;
	s1 =	sshll.u32 s1, $0x11  }
0xbd: {  	s0 =	sor.u32 s1, s0  }
0xbe: {  	s0 =	sadd.s32 $0x8F2B, s0  }
0xbf: {  	[sflag:s0] =	ssyncadd.remote.s32 $0x1  }
0xc0: {  	_ =	sfence.sel $0xFFFF  }
0xc1: {  	[dreg:$0x0] =	wrdreg $0xFFFFFFFF;
	(pc) =	sbr.abs _section_cstart, $3  }
0xc2: {  	[dreg:$0x1] =	wrdreg $0xFFFFFFFF  }
0xc3: {  	_ =	task.clear_ibuf [dreg:s7], $0x2FFFF;
	_ =	strace $0x9FFFFFFF  }
0xc4: {  	(tm) =	ssettm $0x7FFFFFFF  }
0xc5: {  	_ =	shalt  }
tec
execute0_lowered:
.L_overlay_start_1:
0x0: {  	(tag) =	ssettag $0x1  }
0x1: {  	s17 =	rddreg [dreg:$0x0]  }
0x2: {  	s5 =	rddreg [dreg:$0x1]  }
0x3: {  	s2 =	rddreg [dreg:$0x2]  }
0x4: {  	s3 =	rddreg [dreg:$0x3]  }
0x5: {  	s4 =	srdreg.scid;
	s1 =	stileid.u32;
	s19 =	simm.s32 $0x80  }
0x6: {  	s20 =	simm.s32 $0x280;
	s21 =	simm.s32 $0x200;
	s22 =	simm.s32 $0x100  }
0x7: {  	s23 =	simm.s32 $0x180;
	s24 =	simm.s32 $0x3;
	s25 =	simm.s32 $0x2  }
0x8: {  	s26 =	simm.s32 $0x4;
	s28 =	simm.s32 $0x1;
	s8 =	smul.u32 $0x280, s1  }
0x9: {  	s29 =	simm.s32 $0x0;
	s6 =	sand.u32 $0x1, s4;
	s15 =	smul.u32 $0x2800, s1  }
0xa: {  	s4 =	simm.s32 $0x0;
	s16 =	sadd.s32 $0x3000, s5;
	s7 =	smul.u32 $0x2800, s6  }
0xb: {  	s9 =	sshll.u32 s6, $0x4;
	[smem:$0x7FF] =	sst s4;
	s10 =	ssub.s32 $0x2, s6  }
0xc: {  	s14 =	smul.u32 $0x28000, s6;
	s9 =	sor.u32 s1, s9;
	_ =	strace $0x80000047  }
0xd: {  	s30 =	sshrl.u32 s10, $0x1;
	s7 =	sadd.s32 s8, s7;
	s9 =	smul.u32 $0x2800, s9  }
0xe: {  	s13 =	ssub.s32 s10, s30;
	s14 =	sadd.s32 s15, s14;
	s7 =	sshrl.u32 s7, $0x3  }
0xf: {  	s15 =	sor.u32 $0x80, s14;
	s14 =	sor.u32 $0x100, s14;
	s11 =	sadd.s32 s7, s5  }
0x10: {  	s12 =	sshrl.u32 s9, $0x3;
	s7 =	sadd.s32 s8, s2;
	s8 =	sadd.s32 s8, s3  }
0x11: {  	s15 =	sshrl.u32 s15, $0x3;
	s18 =	sshrl.u32 s14, $0x3;
	s5 =	sadd.s32 s17, s12  }
0x12: {  	s6 =	sadd.s32 s16, s12;
	s9 =	sadd.s32 $0xD000, s11;
	s10 =	sadd.s32 $0xDA00, s11  }
0x13: {  	s11 =	smax.u32 s13, $0x1;
	s31 =	sadd.s32 $0x4F0, s12;
	s14 =	sadd.s32 s15, s16  }
0x14: {  	s15 =	sadd.s32 s15, s17;
	s12 =	sadd.s32 s17, s31;
	s13 =	sadd.s32 s16, s31  }
0x15: {  	v0 =	vimm.f32 $1.000000000e+00;
	v1 =	vimm.f32 $0.0e+00;
	s16 =	sadd.s32 s18, s16;
	s17 =	sadd.s32 s18, s17;
	s18 =	simm.s32 $0x5  }
.LBB2_1:
0x16: {  	[tilespmem:$0x200] =	vst v0  }
0x17: {  	[tilespmem:$0x210] =	vst v0  }
0x18: {  	[tilespmem:$0x220] =	vst v0  }
0x19: {  	[tilespmem:$0x230] =	vst v0  }
0x1a: {  	[tilespmem:$0x240] =	vst v0  }
0x1b: {  	[tilespmem:$0x250] =	vst v0  }
0x1c: {  	[tilespmem:$0x260] =	vst v0  }
0x1d: {  	[tilespmem:$0x270] =	vst v0  }
0x1e: {  	[tilespmem:$0x280] =	vst v1  }
0x1f: {  	[tilespmem:$0x290] =	vst v1  }
0x20: {  	[tilespmem:$0x2A0] =	vst v1  }
0x21: {  	[tilespmem:$0x2B0] =	vst v1  }
0x22: {  	[tilespmem:$0x2C0] =	vst v1  }
0x23: {  	[tilespmem:$0x2D0] =	vst v1  }
0x24: {  	[tilespmem:$0x2E0] =	vst v1  }
0x25: {  	[tilespmem:$0x2F0] =	vst v1  }
0x26: {  	[tilespmem:$0x300] =	vst v1  }
0x27: {  	[tilespmem:$0x310] =	vst v1  }
0x28: {  	[tilespmem:$0x320] =	vst v1  }
0x29: {  	[tilespmem:$0x330] =	vst v1  }
0x2a: {  	[tilespmem:$0x340] =	vst v1  }
0x2b: {  	[tilespmem:$0x350] =	vst v1  }
0x2c: {  	[tilespmem:$0x360] =	vst v1  }
0x2d: {  	[tilespmem:$0x370] =	vst v1  }
0x2e: {  	[tilespmem:$0x380] =	vst v1  }
0x2f: {  	[tilespmem:$0x390] =	vst v1  }
0x30: {  	[tilespmem:$0x3A0] =	vst v1  }
0x31: {  	[tilespmem:$0x3B0] =	vst v1  }
0x32: {  	[tilespmem:$0x3C0] =	vst v1  }
0x33: {  	[tilespmem:$0x3D0] =	vst v1  }
0x34: {  	[tilespmem:$0x3E0] =	vst v1  }
0x35: {  	[tilespmem:$0x3F0] =	vst v1  }
0x36: {  	[tilespmem:$0x400] =	vst v1  }
0x37: {  	[tilespmem:$0x410] =	vst v1  }
0x38: {  	[tilespmem:$0x420] =	vst v1  }
0x39: {  	[tilespmem:$0x430] =	vst v1  }
0x3a: {  	[tilespmem:$0x440] =	vst v1  }
0x3b: {  	[tilespmem:$0x450] =	vst v1  }
0x3c: {  	[tilespmem:$0x460] =	vst v1  }
0x3d: {  	[tilespmem:$0x470] =	vst v1  }
0x3e: {  	[tilespmem:$0x480] =	vst v1  }
0x3f: {  	[tilespmem:$0x490] =	vst v1  }
0x40: {  	[tilespmem:$0x4A0] =	vst v1  }
0x41: {  	[tilespmem:$0x4B0] =	vst v1  }
0x42: {  	[tilespmem:$0x4C0] =	vst v1  }
0x43: {  	[tilespmem:$0x4D0] =	vst v1  }
0x44: {  	[tilespmem:$0x4E0] =	vst v1  }
0x45: {  	[tilespmem:$0x4F0] =	vst v1  }
0x46: {  	[tilespmem:s4], [sflag:$0x5] =	stream.linear.gather [hbm4b:s5+s4], $0x80, $0x38;
	[tilespmem:$0xA00] =	vst v63  }
0x47: {  	_ =	swait.ge [sflag:s18], $0x80  }
0x48: {  	[sflag:s18] =	ssyncset.done $0x0  }
0x49: {  	[sflag:s18] =	ssyncadd.s32 $0xFFFFFF80  }
0x4a: {  	[tilespmem:s19], [sflag:$0x5] =	stream.linear.gather [hbm4b:s6+s4], $0x80, $0x38;
	[tilespmem:$0xA00] =	vst v63  }
0x4b: {  	_ =	swait.ge [sflag:s18], $0x80  }
0x4c: {  	[sflag:s18] =	ssyncset.done $0x0  }
0x4d: {  	[sflag:s18] =	ssyncadd.s32 $0xFFFFFF80  }
0x4e: {  	[spmem:s7] =	stream.linear.scatter [tilespmem:s20], [sflag:$0x5], $0x280, $0x38;
	[tilespmem:$0xA00] =	vst v63  }
0x4f: {  	_ =	swait.ge [sflag:s18], $0x280  }
0x50: {  	[sflag:s18] =	ssyncset.done $0x0  }
0x51: {  	[sflag:s18] =	ssyncadd.s32 $0xFFFFFD80  }
0x52: {  	[spmem:s8] =	stream.linear.scatter [tilespmem:s20], [sflag:$0x5], $0x280, $0x38;
	[tilespmem:$0xA00] =	vst v63  }
0x53: {  	_ =	swait.ge [sflag:s18], $0x280  }
0x54: {  	[sflag:s18] =	ssyncset.done $0x0  }
0x55: {  	[sflag:s18] =	ssyncadd.s32 $0xFFFFFD80  }
0x56: {  	[bflag:$0x0] =	sbarrier.arrive $0xFFFF  }
0x57: {  	[spmem:s2] =	stream.indirect.scatter.add.f32 [tilespmem:s21], [sflag:$0x3], $0x1, s4, s19, $0xb8;
	[tilespmem:$0xA00] =	vst v63  }
0x58: {  	_ = 	snop  }
0x59: {  	[spmem:s3] =	stream.indirect.scatter.add.f32 [tilespmem:s21], [sflag:$0x3], $0x1, s19, s19, $0xb8;
	[tilespmem:$0xA00] =	vst v63  }
0x5a: {  	s30 =	sadd.s32 $0x0, s15  }
0x5b: {  	[tilespmem:s22], [sflag:$0x2] =	stream.linear.gather [hbm4b:s30+s4], $0x80, $0x38;
	[tilespmem:$0xA00] =	vst v63  }
0x5c: {  	s30 =	sadd.s32 $0x0, s14  }
0x5d: {  	[tilespmem:s23], [sflag:$0x2] =	stream.linear.gather [hbm4b:s30+s4], $0x80, $0x38;
	[tilespmem:$0xA00] =	vst v63  }
0x5e: {  	_ =	swait.ge [sflag:s24], $0x80  }
0x5f: {  	[sflag:s24] =	ssyncset.done $0x0  }
0x60: {  	[sflag:s24] =	ssyncadd.s32 $0xFFFFFF80  }
0x61: {  	_ =	swait.ge [sflag:s24], $0x80  }
0x62: {  	[sflag:s24] =	ssyncset.done $0x0  }
0x63: {  	[sflag:s24] =	ssyncadd.s32 $0xFFFFFF80  }
0x64: {  	_ =	swait.ge [sflag:s25], $0x80  }
0x65: {  	[sflag:s25] =	ssyncset.done $0x0  }
0x66: {  	[sflag:s25] =	ssyncadd.s32 $0xFFFFFF80  }
0x67: {  	_ =	swait.ge [sflag:s25], $0x80  }
0x68: {  	[sflag:s25] =	ssyncset.done $0x0  }
0x69: {  	[sflag:s25] =	ssyncadd.s32 $0xFFFFFF80  }
0x6a: {  	[spmem:s2] =	stream.indirect.scatter.add.f32 [tilespmem:s21], [sflag:$0x4], $0x1, s22, s19, $0xb8;
	[tilespmem:$0xA00] =	vst v63  }
0x6b: {  	_ = 	snop  }
0x6c: {  	[spmem:s3] =	stream.indirect.scatter.add.f32 [tilespmem:s21], [sflag:$0x4], $0x1, s23, s19, $0xb8;
	[tilespmem:$0xA00] =	vst v63  }
0x6d: {  	s30 =	sadd.s32 $0x0, s17  }
0x6e: {  	[tilespmem:s4], [sflag:$0x1] =	stream.linear.gather [hbm4b:s30+s4], $0x80, $0x38;
	[tilespmem:$0xA00] =	vst v63  }
0x6f: {  	s30 =	sadd.s32 $0x0, s16  }
0x70: {  	[tilespmem:s19], [sflag:$0x1] =	stream.linear.gather [hbm4b:s30+s4], $0x80, $0x38;
	[tilespmem:$0xA00] =	vst v63  }
0x71: {  	_ =	swait.ge [sflag:s26], $0x80  }
0x72: {  	[sflag:s26] =	ssyncset.done $0x0  }
0x73: {  	[sflag:s26] =	ssyncadd.s32 $0xFFFFFF80  }
0x74: {  	_ =	swait.ge [sflag:s26], $0x80  }
0x75: {  	[sflag:s26] =	ssyncset.done $0x0  }
0x76: {  	[sflag:s26] =	ssyncadd.s32 $0xFFFFFF80  }
0x77: {  	_ =	swait.ge [sflag:s28], $0x80  }
0x78: {  	[sflag:s28] =	ssyncset.done $0x0  }
0x79: {  	[sflag:s28] =	ssyncadd.s32 $0xFFFFFF80  }
0x7a: {  	_ =	swait.ge [sflag:s28], $0x80  }
0x7b: {  	s30 =	simm.s32 $0x20;
	[sflag:s28] =	ssyncset.done $0x0  }
.LBB2_2:
0x7c: {  	p0 =	sne.s32 s30, $0x4C0  }
0x7d: {  	[sflag:s28] =	ssyncadd.s32 $0xFFFFFF80;
	s31 =	smov.u32 s30;
	s30 =	sadd.s32 $0x20, s30  }
0x7e: {  	[spmem:s2] =	stream.indirect.scatter.add.f32 [tilespmem:s21], [sflag:$0x3], $0x1, s4, s19, $0xb8;
	[tilespmem:$0xA00] =	vst v63  }
0x7f: {  	_ = 	snop  }
0x80: {  	[spmem:s3] =	stream.indirect.scatter.add.f32 [tilespmem:s21], [sflag:$0x3], $0x1, s19, s19, $0xb8;
	[tilespmem:$0xA00] =	vst v63  }
0x81: {  	s0 =	sadd.s32 s31, s15  }
0x82: {  	[tilespmem:s22], [sflag:$0x2] =	stream.linear.gather [hbm4b:s0+s4], $0x80, $0x38;
	[tilespmem:$0xA00] =	vst v63  }
0x83: {  	s0 =	sadd.s32 s31, s14  }
0x84: {  	[tilespmem:s23], [sflag:$0x2] =	stream.linear.gather [hbm4b:s0+s4], $0x80, $0x38;
	[tilespmem:$0xA00] =	vst v63  }
0x85: {  	_ =	swait.ge [sflag:s24], $0x80  }
0x86: {  	[sflag:s24] =	ssyncset.done $0x0  }
0x87: {  	[sflag:s24] =	ssyncadd.s32 $0xFFFFFF80  }
0x88: {  	_ =	swait.ge [sflag:s24], $0x80  }
0x89: {  	[sflag:s24] =	ssyncset.done $0x0  }
0x8a: {  	[sflag:s24] =	ssyncadd.s32 $0xFFFFFF80  }
0x8b: {  	_ =	swait.ge [sflag:s25], $0x80  }
0x8c: {  	[sflag:s25] =	ssyncset.done $0x0  }
0x8d: {  	[sflag:s25] =	ssyncadd.s32 $0xFFFFFF80  }
0x8e: {  	_ =	swait.ge [sflag:s25], $0x80  }
0x8f: {  	[sflag:s25] =	ssyncset.done $0x0  }
0x90: {  	[sflag:s25] =	ssyncadd.s32 $0xFFFFFF80  }
0x91: {  	[spmem:s2] =	stream.indirect.scatter.add.f32 [tilespmem:s21], [sflag:$0x4], $0x1, s22, s19, $0xb8;
	[tilespmem:$0xA00] =	vst v63  }
0x92: {  	_ = 	snop  }
0x93: {  	[spmem:s3] =	stream.indirect.scatter.add.f32 [tilespmem:s21], [sflag:$0x4], $0x1, s23, s19, $0xb8;
	[tilespmem:$0xA00] =	vst v63  }
0x94: {  	s0 =	sadd.s32 s31, s17  }
0x95: {  	[tilespmem:s4], [sflag:$0x1] =	stream.linear.gather [hbm4b:s0+s4], $0x80, $0x38;
	[tilespmem:$0xA00] =	vst v63  }
0x96: {  	s0 =	sadd.s32 s31, s16  }
0x97: {  	[tilespmem:s19], [sflag:$0x1] =	stream.linear.gather [hbm4b:s0+s4], $0x80, $0x38;
	[tilespmem:$0xA00] =	vst v63  }
0x98: {  	_ =	swait.ge [sflag:s26], $0x80  }
0x99: {  	[sflag:s26] =	ssyncset.done $0x0  }
0x9a: {  	[sflag:s26] =	ssyncadd.s32 $0xFFFFFF80  }
0x9b: {  	_ =	swait.ge [sflag:s26], $0x80  }
0x9c: {  	[sflag:s26] =	ssyncset.done $0x0  }
0x9d: {  	[sflag:s26] =	ssyncadd.s32 $0xFFFFFF80  }
.Ltmp0:
0x9e: {  	_ =	swait.ge [sflag:s28], $0x80;
	(pc) =	sbr.rel @p0 .LBB2_2-.Ltmp0, $4  }
0x9f: {  	[sflag:s28] =	ssyncset.done $0x0  }
0xa0: {  	[sflag:s28] =	ssyncadd.s32 $0xFFFFFF80  }
0xa1: {  	_ =	swait.ge [sflag:s28], $0x80  }
0xa2: {  	[sflag:s28] =	ssyncset.done $0x0  }
0xa3: {  	[sflag:s28] =	ssyncadd.s32 $0xFFFFFF80  }
0xa4: {  	[spmem:s2] =	stream.indirect.scatter.add.f32 [tilespmem:s21], [sflag:$0x3], $0x1, s4, s19, $0xb8;
	[tilespmem:$0xA00] =	vst v63  }
0xa5: {  	_ = 	snop  }
0xa6: {  	[spmem:s3] =	stream.indirect.scatter.add.f32 [tilespmem:s21], [sflag:$0x3], $0x1, s19, s19, $0xb8;
	[tilespmem:$0xA00] =	vst v63  }
0xa7: {  	_ = 	snop  }
0xa8: {  	[tilespmem:s22], [sflag:$0x2] =	stream.linear.gather [hbm4b:s12+s4], $0x80, $0x38;
	[tilespmem:$0xA00] =	vst v63  }
0xa9: {  	_ = 	snop  }
0xaa: {  	[tilespmem:s23], [sflag:$0x2] =	stream.linear.gather [hbm4b:s13+s4], $0x80, $0x38;
	[tilespmem:$0xA00] =	vst v63  }
0xab: {  	_ =	swait.ge [sflag:s24], $0x80  }
0xac: {  	[sflag:s24] =	ssyncset.done $0x0  }
0xad: {  	[sflag:s24] =	ssyncadd.s32 $0xFFFFFF80  }
0xae: {  	_ =	swait.ge [sflag:s24], $0x80  }
0xaf: {  	[sflag:s24] =	ssyncset.done $0x0  }
0xb0: {  	[sflag:s24] =	ssyncadd.s32 $0xFFFFFF80  }
0xb1: {  	_ =	swait.ge [sflag:s25], $0x80  }
0xb2: {  	[sflag:s25] =	ssyncset.done $0x0  }
0xb3: {  	[sflag:s25] =	ssyncadd.s32 $0xFFFFFF80  }
0xb4: {  	_ =	swait.ge [sflag:s25], $0x80  }
0xb5: {  	[sflag:s25] =	ssyncset.done $0x0  }
0xb6: {  	[sflag:s25] =	ssyncadd.s32 $0xFFFFFF80  }
0xb7: {  	[spmem:s2] =	stream.indirect.scatter.add.f32 [tilespmem:s21], [sflag:$0x4], $0x1, s22, s19, $0xb8;
	[tilespmem:$0xA00] =	vst v63  }
0xb8: {  	_ = 	snop  }
0xb9: {  	[spmem:s3] =	stream.indirect.scatter.add.f32 [tilespmem:s21], [sflag:$0x4], $0x1, s23, s19, $0xb8;
	[tilespmem:$0xA00] =	vst v63  }
0xba: {  	_ = 	snop  }
0xbb: {  	[tilespmem:s4], [sflag:$0x1] =	stream.linear.gather [hbm4b:s12+s4], $0x80, $0x38;
	[tilespmem:$0xA00] =	vst v63  }
0xbc: {  	_ = 	snop  }
0xbd: {  	[tilespmem:s19], [sflag:$0x1] =	stream.linear.gather [hbm4b:s13+s4], $0x80, $0x38;
	[tilespmem:$0xA00] =	vst v63  }
0xbe: {  	_ =	swait.ge [sflag:s26], $0x80  }
0xbf: {  	[sflag:s26] =	ssyncset.done $0x0  }
0xc0: {  	[sflag:s26] =	ssyncadd.s32 $0xFFFFFF80  }
0xc1: {  	_ =	swait.ge [sflag:s26], $0x80  }
0xc2: {  	[sflag:s26] =	ssyncset.done $0x0  }
0xc3: {  	[sflag:s26] =	ssyncadd.s32 $0xFFFFFF80  }
0xc4: {  	_ =	swait.ge [sflag:s28], $0x80  }
0xc5: {  	[sflag:s28] =	ssyncset.done $0x0  }
0xc6: {  	[sflag:s28] =	ssyncadd.s32 $0xFFFFFF80  }
0xc7: {  	_ =	swait.ge [sflag:s28], $0x80  }
0xc8: {  	[sflag:s28] =	ssyncset.done $0x0  }
0xc9: {  	s0 =	sshll.u32 s1, $0x6;
	[sflag:s28] =	ssyncadd.s32 $0xFFFFFF80  }
0xca: {  	s30 =	sshrl.u32 s7, $0x3;
	s0 =	sor.u32 $0x1C05, s0;
	[bflag:$0x0] =	sbarrier.arrive $0xFFFF  }
0xcb: {  	[hbm:s9], [sflag:s0] =	dma.local [spmem:s30], $0x50  }
0xcc: {  	s29 =	sadd.s32 $0x1, s29;
	_ =	swait.ge [sflag:s18], $0x50  }
0xcd: {  	p0 =	sne.s32 s29, s11;
	[sflag:s18] =	ssyncset.done $0x0  }
.Ltmp1:
0xce: {  	s31 =	sshrl.u32 s8, $0x3;
	[sflag:s18] =	ssyncadd.s32 $0xFFFFFFB0;
	(pc) =	sbr.rel @p0 .LBB2_1-.Ltmp1, $4  }
0xcf: {  	[hbm:s10], [sflag:s0] =	dma.local [spmem:s31], $0x50  }
0xd0: {  	_ =	swait.ge [sflag:s18], $0x50  }
0xd1: {  	[sflag:s18] =	ssyncset.done $0x0  }
0xd2: {  	[sflag:s18] =	ssyncadd.s32 $0xFFFFFFB0  }
0xd3: {  	_ =	sfence.sel $0x180000  }
0xd4: {  	[bflag:$0x0] =	sbarrier.arrive $0xFFFF  }
0xd5: {  	_ =	strace $0x90000047  }
0xd6: {  	[bflag:$0x2] =	sbarrier.arrive $0xFFFF  }
0xd7: {  	p0 =	sne.s32 s1, $0x0;
	s0 =	rddreg [dreg:$0x4]  }
0xd8: {  	s0 =	sadd.s32 @!p0 $0x100000, s0  }
0xd9: {  	[sflag:s0] =	ssyncadd.tile.s32 @!p0 $0x1;
	_ =	shalt  }
.Lfunc_end2:
_tile_overlayer_lowered:
.L_overlay_start_2:
0xda: {  	(tag) =	ssettag $0x2  }
0xdb: {  	s0 =	rddreg [dreg:$0x0];
	s2 =	stileid.u32  }
0xdc: {  	s1 =	rddreg [dreg:$0x1];
	p0 =	sne.s32 s2, $0x0  }
0xdd: {  	s3 =	rddreg [dreg:$0x2];
	[bflag:$0x3] =	sbarrier.arrive $0xFFFF;
	s2 =	simm.s32 @!p0 $0x1C05  }
0xde: {  	[timem:s3], [sflag:s2] =	dma.local @!p0 [hbm:s0], s1  }
0xdf: {  	s0 =	simm.s32 @!p0 $0x5  }
0xe0: {  	_ =	swait.ge @!p0 [sflag:s0], s1  }
0xe1: {  	s1 =	ssub.s32 @!p0 $0x0, s1;
	[sflag:s0] =	ssyncset.done @!p0 $0x0  }
0xe2: {  	[sflag:s0] =	ssyncadd.s32 @!p0 s1  }
0xe3: {  	[bflag:$0x3] =	sbarrier.arrive $0xFFFF  }
0xe4: {  	_ =	shalt  }

</sc_bundles>
